<compile_context>
chip_gen: v7x
topology: tpu7x:2x2x1
jax: 0.10.2.dev20260603
libtpu: 0.0.44.dev20260713+nightly
codegen_flags: <defaults>
</compile_context>

<pallas_src>
import functools

import jax
import jax.numpy as jnp
from jax import lax
from jax.experimental import pallas as pl
from jax.experimental.pallas import tpu as pltpu
from jax.experimental.pallas import tpu_sc as plsc

N = 10000
E = 320000
D_FEAT = 128
EMB = 64
NUM_CLASSES = 10
NUM_GRAPHS = 64
BN_EPS = 1e-5

BLK = 512
NPAD = 10240
GRID = NPAD // BLK

NTILES = 32
CH = 128
CPT = 80
EPT = CPT * CH
EPAD = EPT * NTILES
ROWS_PER_SUB = NPAD // 16



def _make_agg(layer: int):
  mesh = plsc.VectorSubcoreMesh(core_axis_name="c", subcore_axis_name="s")

  @functools.partial(
      pl.kernel,
      mesh=mesh,
      compiler_params=pltpu.CompilerParams(use_tc_tiling_on_sc=False),
      out_type=jax.ShapeDtypeStruct((2, NPAD, EMB), jnp.float32),
      scratch_types=[
          pltpu.VMEM((3, CH), jnp.int32),
          pltpu.VMEM((3, CH), jnp.int32),
          pltpu.VMEM((CH, EMB), jnp.float32),
          pltpu.VMEM((CH, EMB), jnp.float32),
          pltpu.VMEM_SHARED((NPAD, EMB), jnp.float32),
          pltpu.SemaphoreType.DMA,
          pltpu.SemaphoreType.DMA,
          pltpu.SemaphoreType.DMA,
          pltpu.SemaphoreType.DMA,
      ],
  )
  def agg(h_hbm, esd_hbm, z_hbm, out_hbm,
          idx0, idx1, rows0, rows1, accum, si0, si1, sg0, sg1):
    c = lax.axis_index("c")
    s = lax.axis_index("s")
    wid = s * 2 + c
    r0 = s * ROWS_PER_SUB
    pltpu.sync_copy(z_hbm.at[pl.ds(r0, ROWS_PER_SUB)],
                    accum.at[pl.ds(r0, ROWS_PER_SUB)])
    plsc.subcore_barrier()

    base = wid * EPT
    dummy = lax.iota(jnp.int32, 16) + N
    idx = (idx0, idx1)
    rows = (rows0, rows1)
    si = (si0, si1)
    sg = (sg0, sg1)

    def load_idx(j, b):
      return pltpu.async_copy(esd_hbm.at[:, pl.ds(base + j * CH, CH)],
                              idx[b], si[b])

    def step(j, cur, do_next_gather, do_next_idx):
      nxt = 1 - cur
      pltpu.make_async_copy(h_hbm.at[idx[cur].at[0]], rows[cur],
                            sg[cur]).wait()
      if do_next_gather:
        pltpu.make_async_copy(esd_hbm.at[:, pl.ds(0, CH)], idx[nxt],
                              si[nxt]).wait()
        pltpu.async_copy(h_hbm.at[idx[nxt].at[0]], rows[nxt], sg[nxt])
      for k in range(CH // 16):
        sl = pl.ds(k * 16, 16)
        idx[cur][1, sl] = jnp.where(idx[cur][2, sl] == layer,
                                    idx[cur][1, sl], dummy)
      pltpu.sync_copy(rows[cur], accum.at[idx[cur].at[1]], add=True)
      if do_next_idx:
        load_idx(j + 2, cur)

    def chunk(j, carry):
      load_idx(j, 0).wait()
      pltpu.async_copy(h_hbm.at[idx0.at[0]], rows0, sg0).wait()
      for k in range(CH // 16):
        sl = pl.ds(k * 16, 16)
        idx0[1, sl] = jnp.where(idx0[2, sl] == layer, idx0[1, sl], dummy)
      pltpu.sync_copy(rows0, accum.at[idx0.at[1]], add=True)
      return carry

    lax.fori_loop(0, CPT, chunk, 0)
    del step

    plsc.subcore_barrier()
    pltpu.sync_copy(accum.at[pl.ds(r0, ROWS_PER_SUB)],
                    out_hbm.at[c, pl.ds(r0, ROWS_PER_SUB)])

  return agg


@functools.lru_cache(maxsize=None)
def _get_agg(layer: int):
  return _make_agg(layer)


def _agg_l1(*args):
  return _get_agg(1)(*args)


def _agg_l2(*args):
  return _get_agg(2)(*args)



def _bf(x):
  return x.astype(jnp.bfloat16)


def _dotb(a, b):
  return jnp.dot(_bf(a), b, preferred_element_type=jnp.float32)


def _init_mlp_body(x_ref, w1_ref, w2_ref, vecs_ref, o_ref):
  v = vecs_ref[...]
  h = _dotb(x_ref[...], w1_ref[...])
  h = jnp.maximum((h + v[0:1, :]) * v[1:2, :] + v[2:3, :], 0.0)
  h = _dotb(h, w2_ref[...])
  o_ref[...] = jnp.maximum((h + v[3:4, :]) * v[4:5, :] + v[5:6, :], 0.0)


def _init_mlp(x_pad, w1f, w2f, vecs):
  return pl.pallas_call(
      _init_mlp_body,
      grid=(GRID,),
      in_specs=[
          pl.BlockSpec((BLK, D_FEAT), lambda i: (i, 0)),
          pl.BlockSpec((D_FEAT, EMB), lambda i: (0, 0)),
          pl.BlockSpec((EMB, EMB), lambda i: (0, 0)),
          pl.BlockSpec((8, EMB), lambda i: (0, 0)),
      ],
      out_specs=pl.BlockSpec((BLK, EMB), lambda i: (i, 0)),
      out_shape=jax.ShapeDtypeStruct((NPAD, EMB), jnp.float32),
  )(x_pad, w1f, w2f, vecs)


def _gin_math(h, n0, n1, v, wa, wb):
  t = v[0:1, :] * h + n0 + n1
  t = jnp.maximum(t * v[1:2, :] + v[2:3, :], 0.0)
  t = jnp.maximum(_dotb(t, wa) + v[3:4, :], 0.0)
  t = _dotb(t, wb) + v[4:5, :]
  return jnp.maximum(t * v[5:6, :] + v[6:7, :], 0.0)


def _gin_body(h_ref, n0_ref, n1_ref, vecs_ref, wa_ref, wb_ref, o_ref):
  o_ref[...] = _gin_math(h_ref[...], n0_ref[0], n1_ref[0], vecs_ref[...],
                         wa_ref[...], wb_ref[...])


def _gin_mlp(h, neigh, vecs, wa, wbf):
  return pl.pallas_call(
      _gin_body,
      grid=(GRID,),
      in_specs=[
          pl.BlockSpec((BLK, EMB), lambda i: (i, 0)),
          pl.BlockSpec((1, BLK, EMB), lambda i: (0, i, 0)),
          pl.BlockSpec((1, BLK, EMB), lambda i: (1, i, 0)),
          pl.BlockSpec((8, EMB), lambda i: (0, 0)),
          pl.BlockSpec((EMB, EMB), lambda i: (0, 0)),
          pl.BlockSpec((EMB, EMB), lambda i: (0, 0)),
      ],
      out_specs=pl.BlockSpec((BLK, EMB), lambda i: (i, 0)),
      out_shape=jax.ShapeDtypeStruct((NPAD, EMB), jnp.float32),
  )(h, neigh, neigh, vecs, wa, wbf)


def _final_body(a0_ref, a1_ref, n0_ref, n1_ref, b_ref, vecs1_ref, wa_ref,
                wb_ref, vh_ref, w3_ref, w4_ref, b4_ref, o_ref,
                pooled_acc, cnt_acc):
  i = pl.program_id(0)
  a0 = a0_ref[...]
  a1 = a1_ref[...]
  a2 = _gin_math(a1, n0_ref[0], n1_ref[0], vecs1_ref[...],
                 wa_ref[...], wb_ref[...])
  vh = vh_ref[...]
  a0b = _bf(a0).astype(jnp.float32)
  a1b = _bf(a1).astype(jnp.float32)
  a2b = _bf(a2).astype(jnp.float32)
  ac0 = (vh[3:4, :] * a0 + vh[4:5, :]) + a0
  ac1 = (vh[5:6, :] * a0b + vh[6:7, :] * a1b + vh[7:8, :]) + a1
  ac2 = (vh[8:9, :] * a0b + vh[9:10, :] * a1b + vh[10:11, :] * a2b
         + vh[11:12, :]) + a2
  out = (vh[12:13, :] * _bf(ac0).astype(jnp.float32)
         + vh[13:14, :] * _bf(ac1).astype(jnp.float32)
         + vh[14:15, :] * _bf(ac2).astype(jnp.float32)
         + vh[15:16, :])

  b = b_ref[0]
  oh = (lax.broadcasted_iota(jnp.int32, (NUM_GRAPHS, BLK), 0) == b)
  oh = oh.astype(jnp.float32)

  @pl.when(i == 0)
  def _():
    pooled_acc[...] = jnp.zeros_like(pooled_acc)
    cnt_acc[...] = jnp.zeros_like(cnt_acc)

  pooled_acc[...] += jnp.dot(oh, out, preferred_element_type=jnp.float32,
                             precision=jax.lax.Precision.HIGHEST)
  cnt_acc[...] += jnp.sum(oh, axis=1, keepdims=True)

  @pl.when(i == GRID - 1)
  def _():
    pooled = pooled_acc[...] / jnp.maximum(cnt_acc[...], 1.0)
    p = jnp.maximum(pooled * vh[0:1, :] + vh[1:2, :], 0.0)
    p = jnp.maximum(_dotb(p, w3_ref[...]) + vh[2:3, :], 0.0)
    o_ref[...] = _dotb(p, w4_ref[...]) + b4_ref[0:1, :]


def _final(a0, a1, neigh, batch_r, vecs1, wa1, wb1, vh, w3, w4, b4):
  return pl.pallas_call(
      _final_body,
      grid=(GRID,),
      in_specs=[
          pl.BlockSpec((BLK, EMB), lambda i: (i, 0)),
          pl.BlockSpec((BLK, EMB), lambda i: (i, 0)),
          pl.BlockSpec((1, BLK, EMB), lambda i: (0, i, 0)),
          pl.BlockSpec((1, BLK, EMB), lambda i: (1, i, 0)),
          pl.BlockSpec((1, 1, BLK), lambda i: (i, 0, 0)),
          pl.BlockSpec((8, EMB), lambda i: (0, 0)),
          pl.BlockSpec((EMB, EMB), lambda i: (0, 0)),
          pl.BlockSpec((EMB, EMB), lambda i: (0, 0)),
          pl.BlockSpec((16, EMB), lambda i: (0, 0)),
          pl.BlockSpec((EMB, EMB), lambda i: (0, 0)),
          pl.BlockSpec((EMB, 128), lambda i: (0, 0)),
          pl.BlockSpec((8, 128), lambda i: (0, 0)),
      ],
      out_specs=pl.BlockSpec((NUM_GRAPHS, 128), lambda i: (0, 0)),
      out_shape=jax.ShapeDtypeStruct((NUM_GRAPHS, 128), jnp.float32),
      scratch_shapes=[
          pltpu.VMEM((NUM_GRAPHS, EMB), jnp.float32),
          pltpu.VMEM((NUM_GRAPHS, 1), jnp.float32),
      ],
  )(a0, a1, neigh, neigh, batch_r, vecs1, wa1, wb1, vh, w3, w4, b4)



def kernel(x, edge_index, edge_weights, batch, params):
  p = params
  kbn = 1.0 / jnp.sqrt(1.0 + BN_EPS)

  def bfs(v):
    return jnp.asarray(v, jnp.float32).astype(jnp.bfloat16).astype(jnp.float32)

  vecs_init = jnp.zeros((8, EMB), jnp.float32)
  vecs_init = (vecs_init
               .at[0].set(p['init_b1'])
               .at[1].set(kbn * p['init_bn1_g'])
               .at[2].set(p['init_bn1_b'])
               .at[3].set(p['init_b2'])
               .at[4].set(kbn * p['init_bn2_g'])
               .at[5].set(p['init_bn2_b']))
  w1b = p['init_W1'].astype(jnp.bfloat16)
  w2b = p['init_W2'].astype(jnp.bfloat16)

  gin_vecs, gin_wa, gin_wb = [], [], []
  for l in range(2):
    v = jnp.zeros((8, EMB), jnp.float32)
    v = (v.at[0].set(1.0 + p['gin%d_eps' % l])
          .at[1].set(kbn * p['gin%d_bna_g' % l])
          .at[2].set(p['gin%d_bna_b' % l])
          .at[3].set(p['gin%d_ba' % l])
          .at[4].set(p['gin%d_bb' % l])
          .at[5].set(kbn * p['gin%d_bnb_g' % l])
          .at[6].set(p['gin%d_bnb_b' % l]))
    gin_vecs.append(v)
    gin_wa.append(p['gin%d_Wa' % l].astype(jnp.bfloat16))
    gin_wb.append(p['gin%d_Wb' % l].astype(jnp.bfloat16))

  fw = p['final_w']
  vh = jnp.zeros((16, EMB), jnp.float32)
  vh = (vh.at[0].set(kbn * p['lin_bn_g'])
          .at[1].set(p['lin_bn_b'])
          .at[2].set(p['lin_b3'])
          .at[3].set(p['conv0_w'][0])
          .at[4].set(p['conv0_b'])
          .at[5].set(bfs(p['conv1_w'][0]))
          .at[6].set(bfs(p['conv1_w'][1]))
          .at[7].set(p['conv1_b'])
          .at[8].set(bfs(p['conv2_w'][0]))
          .at[9].set(bfs(p['conv2_w'][1]))
          .at[10].set(bfs(p['conv2_w'][2]))
          .at[11].set(p['conv2_b'])
          .at[12].set(bfs(fw[0]))
          .at[13].set(bfs(fw[1]))
          .at[14].set(bfs(fw[2]))
          .at[15].set(p['final_b']))
  w3b = p['lin_W3'].astype(jnp.bfloat16)
  w4b = jnp.zeros((EMB, 128), jnp.bfloat16)
  w4b = w4b.at[:, 0:NUM_CLASSES].set(p['lin_W4'].astype(jnp.bfloat16))
  b4p = jnp.zeros((8, 128), jnp.float32)
  b4p = b4p.at[0, 0:NUM_CLASSES].set(p['lin_b4'])

  x_pad = jnp.pad(x, ((0, NPAD - N), (0, 0)))
  esd = jnp.stack([
      jnp.pad(edge_index[0], (0, EPAD - E)),
      jnp.pad(edge_index[1], (0, EPAD - E)),
      jnp.pad(edge_weights, (0, EPAD - E)),
  ])
  batch_r = jnp.pad(batch, (0, NPAD - N),
                    constant_values=NUM_GRAPHS).reshape(GRID, 1, BLK)
  zfeat = jnp.zeros((NPAD, EMB), jnp.float32)

  h0 = _init_mlp(x_pad, w1b, w2b, vecs_init)
  n0 = _agg_l1(h0, esd, zfeat)
  a1 = _gin_mlp(h0, n0, gin_vecs[0], gin_wa[0], gin_wb[0])
  n1 = _agg_l2(a1, esd, zfeat)
  a2 = _gin_mlp(a1, n1, gin_vecs[1], gin_wa[1], gin_wb[1])

  aggr = jnp.stack([h0[:N], a1[:N], a2[:N]], axis=0)
  aggr_conv = []
  for i in range(3):
    xc = (jnp.tensordot(p['conv%d_w' % i], aggr[: i + 1], axes=(0, 0))
          + p['conv%d_b' % i])
    aggr_conv.append(xc + aggr[i])
  aggr_conv = jnp.stack(aggr_conv, axis=0)
  out = jnp.tensordot(p['final_w'], aggr_conv, axes=(0, 0)) + p['final_b']
  sums = jax.ops.segment_sum(out, batch, num_segments=NUM_GRAPHS)
  counts = jax.ops.segment_sum(jnp.ones((N,), out.dtype), batch,
                               num_segments=NUM_GRAPHS)
  pooled = sums / jnp.maximum(counts, 1.0)[:, None]
  h2 = jax.nn.relu(pooled / jnp.sqrt(1.0 + BN_EPS) * p['lin_bn_g']
                   + p['lin_bn_b'])
  h2 = jax.nn.relu(h2 @ p['lin_W3'] + p['lin_b3'])
  h2 = h2 @ p['lin_W4'] + p['lin_b4']
  return h2

# --- scband reference (transcript-rebuilt; emitter-appended) ---
"""Pipeline reference for scband-rewc-gin-20194936226188 (READ-ONLY COPY).

The authoritative reference and input builder live on the scoring server;
editing this copy changes nothing except your own understanding.
"""

import jax, jax.numpy as jnp
import numpy as np

N = 10000
E = 320000
D_FEAT = 128
EMB = 64
NUM_CLASSES = 10
NUM_LAYERS = 2
NUM_GRAPHS = 64
BN_EPS = 1e-5


def _lin_init(key, fan_in, fan_out):
    k1, k2 = jax.random.split(key)
    bound = 1.0 / np.sqrt(fan_in)
    W = jax.random.uniform(k1, (fan_in, fan_out), minval=-bound, maxval=bound, dtype=jnp.float32)
    b = jax.random.uniform(k2, (fan_out,), minval=-bound, maxval=bound, dtype=jnp.float32)
    return W, b


def setup_inputs(seed: int = 0):
    key = jax.random.key(seed)
    ks = jax.random.split(key, 40)
    x = jax.random.normal(ks[0], (N, D_FEAT), dtype=jnp.float32)
    edge_index = jax.random.randint(ks[1], (2, E), 0, N)
    edge_weights = jax.random.randint(ks[2], (E,), 0, 3)
    batch = jnp.sort(jax.random.randint(ks[3], (N,), 0, NUM_GRAPHS))
    params = {}
    params['init_W1'], params['init_b1'] = _lin_init(ks[4], D_FEAT, EMB)
    params['init_bn1_g'] = jnp.ones((EMB,), jnp.float32)
    params['init_bn1_b'] = jnp.zeros((EMB,), jnp.float32)
    params['init_W2'], params['init_b2'] = _lin_init(ks[5], EMB, EMB)
    params['init_bn2_g'] = jnp.ones((EMB,), jnp.float32)
    params['init_bn2_b'] = jnp.zeros((EMB,), jnp.float32)
    for l in range(NUM_LAYERS):
        params['gin%d_eps' % l] = jnp.asarray(0.1, jnp.float32)
        params['gin%d_bna_g' % l] = jnp.ones((EMB,), jnp.float32)
        params['gin%d_bna_b' % l] = jnp.zeros((EMB,), jnp.float32)
        params['gin%d_Wa' % l], params['gin%d_ba' % l] = _lin_init(ks[6 + 2 * l], EMB, EMB)
        params['gin%d_Wb' % l], params['gin%d_bb' % l] = _lin_init(ks[7 + 2 * l], EMB, EMB)
        params['gin%d_bnb_g' % l] = jnp.ones((EMB,), jnp.float32)
        params['gin%d_bnb_b' % l] = jnp.zeros((EMB,), jnp.float32)
    for i in range(NUM_LAYERS + 1):
        fan_in = i + 1
        bound = 1.0 / np.sqrt(fan_in)
        params['conv%d_w' % i] = jax.random.uniform(ks[12 + i], (i + 1,), minval=-bound, maxval=bound, dtype=jnp.float32)
        params['conv%d_b' % i] = jax.random.uniform(jax.random.fold_in(ks[12 + i], 1), (), minval=-bound, maxval=bound, dtype=jnp.float32)
    fb = 1.0 / np.sqrt(NUM_LAYERS + 1)
    params['final_w'] = jax.random.uniform(ks[16], (NUM_LAYERS + 1,), minval=-fb, maxval=fb, dtype=jnp.float32)
    params['final_b'] = jax.random.uniform(jax.random.fold_in(ks[16], 1), (), minval=-fb, maxval=fb, dtype=jnp.float32)
    params['lin_bn_g'] = jnp.ones((EMB,), jnp.float32)
    params['lin_bn_b'] = jnp.zeros((EMB,), jnp.float32)
    params['lin_W3'], params['lin_b3'] = _lin_init(ks[17], EMB, EMB)
    params['lin_W4'], params['lin_b4'] = _lin_init(ks[18], EMB, NUM_CLASSES)
    return {'x': x, 'edge_index': edge_index, 'edge_weights': edge_weights, 'batch': batch, 'params': params}


def _bn(h, g, b):
    # eval-mode BatchNorm1d: running_mean=0, running_var=1
    return h / jnp.sqrt(1.0 + BN_EPS) * g + b


def reference(x, edge_index, edge_weights, batch, params):
    p = params
    # initial_mlp (dropout p=0.0 -> identity)
    h = x @ p['init_W1'] + p['init_b1']
    h = jax.nn.relu(_bn(h, p['init_bn1_g'], p['init_bn1_b']))
    h = h @ p['init_W2'] + p['init_b2']
    h = jax.nn.relu(_bn(h, p['init_bn2_g'], p['init_bn2_b']))
    src = edge_index[0]
    dst = edge_index[1]
    aggr = [h]
    for i in range(1, NUM_LAYERS + 1):
        l = i - 1
        mask = (edge_weights == i).astype(h.dtype)
        # GINConv with masked edge subset: sum aggregation of x[src] at dst
        msgs = h[src] * mask[:, None]
        neigh = jnp.zeros((N, EMB), dtype=h.dtype).at[dst].add(msgs)
        t = (1.0 + p['gin%d_eps' % l]) * h + neigh
        # nn: BN, Dropout(0), ReLU, Linear, ReLU, Linear, BN
        t = jax.nn.relu(_bn(t, p['gin%d_bna_g' % l], p['gin%d_bna_b' % l]))
        t = jax.nn.relu(t @ p['gin%d_Wa' % l] + p['gin%d_ba' % l])
        t = t @ p['gin%d_Wb' % l] + p['gin%d_bb' % l]
        t = _bn(t, p['gin%d_bnb_g' % l], p['gin%d_bnb_b' % l])
        aggr.append(jax.nn.relu(t))
    aggr = jnp.stack(aggr, axis=0)  # (L+1, N, EMB)
    aggr_conv = []
    for i in range(NUM_LAYERS + 1):
        # Conv2d(1,1,kernel=(i+1,1)) over layer axis == weighted sum of first i+1 layers
        xc = jnp.tensordot(p['conv%d_w' % i], aggr[: i + 1], axes=(0, 0)) + p['conv%d_b' % i]
        aggr_conv.append(xc + aggr[i])
    aggr_conv = jnp.stack(aggr_conv, axis=0)  # (L+1, N, EMB)
    out = jnp.tensordot(p['final_w'], aggr_conv, axes=(0, 0)) + p['final_b']  # (N, EMB)
    # global_mean_pool
    sums = jax.ops.segment_sum(out, batch, num_segments=NUM_GRAPHS)
    counts = jax.ops.segment_sum(jnp.ones((N,), out.dtype), batch, num_segments=NUM_GRAPHS)
    pooled = sums / jnp.maximum(counts, 1.0)[:, None]
    # initial_lin: BN, ReLU, Linear, ReLU, Linear, Dropout(0)
    h2 = jax.nn.relu(_bn(pooled, p['lin_bn_g'], p['lin_bn_b']))
    h2 = jax.nn.relu(h2 @ p['lin_W3'] + p['lin_b3'])
    h2 = h2 @ p['lin_W4'] + p['lin_b4']
    return h2

if __name__ == "__main__":
    import jax
    _d = setup_inputs()
    print(jax.jit(kernel)(*tuple(_d.values())))

</pallas_src>

<mosaic_0001>
#map = affine_map<(d0, d1) -> (0, 0)>
#map1 = affine_map<(d0, d1) -> (0, 0, 0)>
module attributes {stable_mosaic.version = 14 : i64} {
  func.func @agg(%arg0: i32, %arg1: i32, %arg2: memref<10240x64xf32, #tpu.memory_space<hbm>>, %arg3: memref<3x327680xi32, #tpu.memory_space<hbm>>, %arg4: memref<10240x64xf32, #tpu.memory_space<hbm>>, %arg5: memref<2x10240x64xf32, #tpu.memory_space<hbm>>, %arg6: memref<3x128xi32, #tpu.memory_space<vmem>>, %arg7: memref<3x128xi32, #tpu.memory_space<vmem>>, %arg8: memref<128x64xf32, #tpu.memory_space<vmem>>, %arg9: memref<128x64xf32, #tpu.memory_space<vmem>>, %arg10: memref<10240x64xf32, #tpu.memory_space<vmem_shared>>, %arg11: memref<!tpu.dma_semaphore, #tpu.memory_space<semaphore_mem>>, %arg12: memref<!tpu.dma_semaphore, #tpu.memory_space<semaphore_mem>>, %arg13: memref<!tpu.dma_semaphore, #tpu.memory_space<semaphore_mem>>, %arg14: memref<!tpu.dma_semaphore, #tpu.memory_space<semaphore_mem>>) attributes {dimension_semantics = [#tpu.dimension_semantics<core_parallel>, #tpu.dimension_semantics<subcore_parallel>], iteration_bounds = array<i64: 2, 16>, scalar_prefetch = 0 : i64, scratch_operands = 9 : i64, tpu.core_type = #tpu.core_type<sc_vector_subcore>, window_params = [{transform_indices = #map}, {transform_indices = #map}, {transform_indices = #map}, {transform_indices = #map1}]} {
    %mul3A = arith.constant 2 : i32
    %mul3A_0 = arith.muli %arg1, %mul3A : i32
    %add3A = arith.addi %mul3A_0, %arg0 : i32
    %mul3A_1 = arith.constant 640 : i32
    %mul3A_2 = arith.muli %arg1, %mul3A_1 : i32
    "tpu.region"() ({
      %run_scoped3A = tpu.sem_alloc : memref<!tpu.dma_semaphore, #tpu.memory_space<semaphore_mem>>
      %dma_start3A = arith.constant 0 : i32
      %dma_start3A_14 = tpu.memref_slice %arg10[%mul3A_2, %dma_start3A] : memref<10240x64xf32, #tpu.memory_space<vmem_shared>> -> memref<640x64xf32, #tpu.memory_space<vmem_shared>>
      %dma_start3A_15 = arith.constant 0 : i32
      %dma_start3A_16 = tpu.memref_slice %arg4[%mul3A_2, %dma_start3A_15] : memref<10240x64xf32, #tpu.memory_space<hbm>> -> memref<640x64xf32, #tpu.memory_space<hbm>>
      tpu.enqueue_dma source(%dma_start3A_16 : memref<640x64xf32, #tpu.memory_space<hbm>>) target(%dma_start3A_14 : memref<640x64xf32, #tpu.memory_space<vmem_shared>>) target_semaphore(%run_scoped3A : memref<!tpu.dma_semaphore, #tpu.memory_space<semaphore_mem>>)
      %dma_wait3A = arith.constant 0 : i32
      %dma_wait3A_17 = tpu.memref_slice %arg10[%mul3A_2, %dma_wait3A] : memref<10240x64xf32, #tpu.memory_space<vmem_shared>> -> memref<640x64xf32, #tpu.memory_space<vmem_shared>>
      %dma_wait3A_18 = arith.constant 0 : i32
      %dma_wait3A_19 = tpu.memref_slice %arg4[%mul3A_2, %dma_wait3A_18] : memref<10240x64xf32, #tpu.memory_space<hbm>> -> memref<640x64xf32, #tpu.memory_space<hbm>>
      tpu.wait_dma2 semaphore(%run_scoped3A : memref<!tpu.dma_semaphore, #tpu.memory_space<semaphore_mem>>) src(%dma_wait3A_19 : memref<640x64xf32, #tpu.memory_space<hbm>>) dst(%dma_wait3A_17 : memref<640x64xf32, #tpu.memory_space<vmem_shared>>)
      tpu.yield
    }) : () -> ()
    %barrier3A = arith.constant 0 : index
    tpu.barrier barrier_id(%barrier3A)
    %mul3A_3 = arith.constant 10240 : i32
    %mul3A_4 = arith.muli %add3A, %mul3A_3 : i32
    %iota3A = tpu.iota {dimensions = array<i32: 0>} : vector<16xi32>
    %add3A_5 = arith.constant 10000 : i32
    %add3A_6 = vector.broadcast %add3A_5 : i32 to vector<16xi32>
    %add3A_7 = arith.addi %iota3A, %add3A_6 : vector<16xi32>
    %scan3A = arith.constant 0 : i32
    %scan3A_8 = arith.constant 0 : i32
    %scan3A_9 = arith.constant 80 : i32
    %scan3A_10 = arith.addi %scan3A_8, %scan3A_9 : i32
    %scan3A_11 = arith.constant 1 : i32
    scf.for %scan3A_14 = %scan3A_8 to %scan3A_10 step %scan3A_11  : i32 {
      %mul3A_15 = arith.constant 128 : i32
      %mul3A_16 = arith.muli %scan3A_14, %mul3A_15 : i32
      %add3A_17 = arith.addi %mul3A_4, %mul3A_16 : i32
      %dma_start3A = arith.constant 0 : i32
      %dma_start3A_18 = tpu.memref_slice %arg3[%dma_start3A, %add3A_17] : memref<3x327680xi32, #tpu.memory_space<hbm>> -> memref<3x128xi32, #tpu.memory_space<hbm>>
      %dma_start3A_19 = arith.constant 0 : i32
      %dma_start3A_20 = tpu.memref_slice %arg3[%dma_start3A_19, %add3A_17] : memref<3x327680xi32, #tpu.memory_space<hbm>> -> memref<3x128xi32, #tpu.memory_space<hbm>>
      tpu.enqueue_dma source(%dma_start3A_20 : memref<3x128xi32, #tpu.memory_space<hbm>>) target(%arg6 : memref<3x128xi32, #tpu.memory_space<vmem>>) target_semaphore(%arg11 : memref<!tpu.dma_semaphore, #tpu.memory_space<semaphore_mem>>)
      %dma_wait3A = arith.constant 0 : i32
      %dma_wait3A_21 = tpu.memref_slice %arg3[%dma_wait3A, %add3A_17] : memref<3x327680xi32, #tpu.memory_space<hbm>> -> memref<3x128xi32, #tpu.memory_space<hbm>>
      %dma_wait3A_22 = arith.constant 0 : i32
      %dma_wait3A_23 = tpu.memref_slice %arg3[%dma_wait3A_22, %add3A_17] : memref<3x327680xi32, #tpu.memory_space<hbm>> -> memref<3x128xi32, #tpu.memory_space<hbm>>
      tpu.wait_dma2 semaphore(%arg11 : memref<!tpu.dma_semaphore, #tpu.memory_space<semaphore_mem>>) src(%dma_wait3A_23 : memref<3x128xi32, #tpu.memory_space<hbm>>) dst(%arg6 : memref<3x128xi32, #tpu.memory_space<vmem>>)
      %dma_start3A_24 = arith.constant 0 : i32
      %dma_start3A_25 = arith.constant 0 : i32
      %dma_start3A_26 = tpu.memref_slice %arg6[%dma_start3A_24, %dma_start3A_25] : memref<3x128xi32, #tpu.memory_space<vmem>> -> memref<1x128xi32, #tpu.memory_space<vmem>>
      %dma_start3A_27 = tpu.memref_squeeze %dma_start3A_26 : memref<1x128xi32, #tpu.memory_space<vmem>> -> memref<128xi32, #tpu.memory_space<vmem>>
      %dma_start3A_28 = arith.constant 0 : i32
      %dma_start3A_29 = arith.constant 0 : i32
      %dma_start3A_30 = tpu.memref_slice %arg2[%dma_start3A_28, %dma_start3A_29] : memref<10240x64xf32, #tpu.memory_space<hbm>> -> memref<10240x64xf32, #tpu.memory_space<hbm>>
      tpu.enqueue_indirect_dma source(%dma_start3A_30 : memref<10240x64xf32, #tpu.memory_space<hbm>>) target(%arg8 : memref<128x64xf32, #tpu.memory_space<vmem>>) offsets(%dma_start3A_27 : memref<128xi32, #tpu.memory_space<vmem>>) semaphore(%arg13 : memref<!tpu.dma_semaphore, #tpu.memory_space<semaphore_mem>>)
      %dma_wait3A_31 = arith.constant 0 : i32
      %dma_wait3A_32 = arith.constant 0 : i32
      %dma_wait3A_33 = tpu.memref_slice %arg6[%dma_wait3A_31, %dma_wait3A_32] : memref<3x128xi32, #tpu.memory_space<vmem>> -> memref<1x128xi32, #tpu.memory_space<vmem>>
      %dma_wait3A_34 = tpu.memref_squeeze %dma_wait3A_33 : memref<1x128xi32, #tpu.memory_space<vmem>> -> memref<128xi32, #tpu.memory_space<vmem>>
      %dma_wait3A_35 = arith.constant 0 : i32
      %dma_wait3A_36 = arith.constant 0 : i32
      %dma_wait3A_37 = tpu.memref_slice %arg2[%dma_wait3A_35, %dma_wait3A_36] : memref<10240x64xf32, #tpu.memory_space<hbm>> -> memref<10240x64xf32, #tpu.memory_space<hbm>>
      tpu.wait_indirect_dma semaphore(%arg13 : memref<!tpu.dma_semaphore, #tpu.memory_space<semaphore_mem>>) src(%dma_wait3A_37 : memref<10240x64xf32, #tpu.memory_space<hbm>>) dst(%arg8 : memref<128x64xf32, #tpu.memory_space<vmem>>)
      %get3A = arith.constant 2 : i32
      %get3A_38 = arith.index_cast %get3A : i32 to index
      %get3A_39 = arith.constant 0 : index
      %get3A_40 = tpu.vector_load %arg6[%get3A_38, %get3A_39] {strides = array<i32>} : memref<3x128xi32, #tpu.memory_space<vmem>>, vector<1x16xi32>,
      %get3A_41 = vector.shape_cast %get3A_40 : vector<1x16xi32> to vector<16xi32>
      %eq3A = arith.constant 1 : i32
      %eq3A_42 = vector.broadcast %eq3A : i32 to vector<16xi32>
      %eq3A_43 = arith.cmpi eq, %get3A_41, %eq3A_42 : vector<16xi32>
      %get3A_44 = arith.constant 1 : i32
      %get3A_45 = arith.index_cast %get3A_44 : i32 to index
      %get3A_46 = arith.constant 0 : index
      %get3A_47 = tpu.vector_load %arg6[%get3A_45, %get3A_46] {strides = array<i32>} : memref<3x128xi32, #tpu.memory_space<vmem>>, vector<1x16xi32>,
      %get3A_48 = vector.shape_cast %get3A_47 : vector<1x16xi32> to vector<16xi32>
      %select_n3A = arith.select %eq3A_43, %get3A_48, %add3A_7 : vector<16xi1>, vector<16xi32>
      %swap3A = arith.constant 1 : i32
      %swap3A_49 = arith.index_cast %swap3A : i32 to index
      %swap3A_50 = arith.constant 0 : index
      %swap3A_51 = tpu.vector_load %arg6[%swap3A_49, %swap3A_50] {strides = array<i32>} : memref<3x128xi32, #tpu.memory_space<vmem>>, vector<1x16xi32>,
      %swap3A_52 = vector.shape_cast %swap3A_51 : vector<1x16xi32> to vector<16xi32>
      %swap3A_53 = vector.shape_cast %select_n3A : vector<16xi32> to vector<1x16xi32>
      tpu.vector_store %arg6[%swap3A_49, %swap3A_50], %swap3A_53 {strides = array<i32>} : memref<3x128xi32, #tpu.memory_space<vmem>>, vector<1x16xi32>,
      %get3A_54 = arith.constant 2 : i32
      %get3A_55 = arith.index_cast %get3A_54 : i32 to index
      %get3A_56 = arith.constant 16 : index
      %get3A_57 = tpu.vector_load %arg6[%get3A_55, %get3A_56] {strides = array<i32>} : memref<3x128xi32, #tpu.memory_space<vmem>>, vector<1x16xi32>,
      %get3A_58 = vector.shape_cast %get3A_57 : vector<1x16xi32> to vector<16xi32>
      %eq3A_59 = arith.constant 1 : i32
      %eq3A_60 = vector.broadcast %eq3A_59 : i32 to vector<16xi32>
      %eq3A_61 = arith.cmpi eq, %get3A_58, %eq3A_60 : vector<16xi32>
      %get3A_62 = arith.constant 1 : i32
      %get3A_63 = arith.index_cast %get3A_62 : i32 to index
      %get3A_64 = arith.constant 16 : index
      %get3A_65 = tpu.vector_load %arg6[%get3A_63, %get3A_64] {strides = array<i32>} : memref<3x128xi32, #tpu.memory_space<vmem>>, vector<1x16xi32>,
      %get3A_66 = vector.shape_cast %get3A_65 : vector<1x16xi32> to vector<16xi32>
      %select_n3A_67 = arith.select %eq3A_61, %get3A_66, %add3A_7 : vector<16xi1>, vector<16xi32>
      %swap3A_68 = arith.constant 1 : i32
      %swap3A_69 = arith.index_cast %swap3A_68 : i32 to index
      %swap3A_70 = arith.constant 16 : index
      %swap3A_71 = tpu.vector_load %arg6[%swap3A_69, %swap3A_70] {strides = array<i32>} : memref<3x128xi32, #tpu.memory_space<vmem>>, vector<1x16xi32>,
      %swap3A_72 = vector.shape_cast %swap3A_71 : vector<1x16xi32> to vector<16xi32>
      %swap3A_73 = vector.shape_cast %select_n3A_67 : vector<16xi32> to vector<1x16xi32>
      tpu.vector_store %arg6[%swap3A_69, %swap3A_70], %swap3A_73 {strides = array<i32>} : memref<3x128xi32, #tpu.memory_space<vmem>>, vector<1x16xi32>,
      %get3A_74 = arith.constant 2 : i32
      %get3A_75 = arith.index_cast %get3A_74 : i32 to index
      %get3A_76 = arith.constant 32 : index
      %get3A_77 = tpu.vector_load %arg6[%get3A_75, %get3A_76] {strides = array<i32>} : memref<3x128xi32, #tpu.memory_space<vmem>>, vector<1x16xi32>,
      %get3A_78 = vector.shape_cast %get3A_77 : vector<1x16xi32> to vector<16xi32>
      %eq3A_79 = arith.constant 1 : i32
      %eq3A_80 = vector.broadcast %eq3A_79 : i32 to vector<16xi32>
      %eq3A_81 = arith.cmpi eq, %get3A_78, %eq3A_80 : vector<16xi32>
      %get3A_82 = arith.constant 1 : i32
      %get3A_83 = arith.index_cast %get3A_82 : i32 to index
      %get3A_84 = arith.constant 32 : index
      %get3A_85 = tpu.vector_load %arg6[%get3A_83, %get3A_84] {strides = array<i32>} : memref<3x128xi32, #tpu.memory_space<vmem>>, vector<1x16xi32>,
      %get3A_86 = vector.shape_cast %get3A_85 : vector<1x16xi32> to vector<16xi32>
      %select_n3A_87 = arith.select %eq3A_81, %get3A_86, %add3A_7 : vector<16xi1>, vector<16xi32>
      %swap3A_88 = arith.constant 1 : i32
      %swap3A_89 = arith.index_cast %swap3A_88 : i32 to index
      %swap3A_90 = arith.constant 32 : index
      %swap3A_91 = tpu.vector_load %arg6[%swap3A_89, %swap3A_90] {strides = array<i32>} : memref<3x128xi32, #tpu.memory_space<vmem>>, vector<1x16xi32>,
      %swap3A_92 = vector.shape_cast %swap3A_91 : vector<1x16xi32> to vector<16xi32>
      %swap3A_93 = vector.shape_cast %select_n3A_87 : vector<16xi32> to vector<1x16xi32>
      tpu.vector_store %arg6[%swap3A_89, %swap3A_90], %swap3A_93 {strides = array<i32>} : memref<3x128xi32, #tpu.memory_space<vmem>>, vector<1x16xi32>,
      %get3A_94 = arith.constant 2 : i32
      %get3A_95 = arith.index_cast %get3A_94 : i32 to index
      %get3A_96 = arith.constant 48 : index
      %get3A_97 = tpu.vector_load %arg6[%get3A_95, %get3A_96] {strides = array<i32>} : memref<3x128xi32, #tpu.memory_space<vmem>>, vector<1x16xi32>,
      %get3A_98 = vector.shape_cast %get3A_97 : vector<1x16xi32> to vector<16xi32>
      %eq3A_99 = arith.constant 1 : i32
      %eq3A_100 = vector.broadcast %eq3A_99 : i32 to vector<16xi32>
      %eq3A_101 = arith.cmpi eq, %get3A_98, %eq3A_100 : vector<16xi32>
      %get3A_102 = arith.constant 1 : i32
      %get3A_103 = arith.index_cast %get3A_102 : i32 to index
      %get3A_104 = arith.constant 48 : index
      %get3A_105 = tpu.vector_load %arg6[%get3A_103, %get3A_104] {strides = array<i32>} : memref<3x128xi32, #tpu.memory_space<vmem>>, vector<1x16xi32>,
      %get3A_106 = vector.shape_cast %get3A_105 : vector<1x16xi32> to vector<16xi32>
      %select_n3A_107 = arith.select %eq3A_101, %get3A_106, %add3A_7 : vector<16xi1>, vector<16xi32>
      %swap3A_108 = arith.constant 1 : i32
      %swap3A_109 = arith.index_cast %swap3A_108 : i32 to index
      %swap3A_110 = arith.constant 48 : index
      %swap3A_111 = tpu.vector_load %arg6[%swap3A_109, %swap3A_110] {strides = array<i32>} : memref<3x128xi32, #tpu.memory_space<vmem>>, vector<1x16xi32>,
      %swap3A_112 = vector.shape_cast %swap3A_111 : vector<1x16xi32> to vector<16xi32>
      %swap3A_113 = vector.shape_cast %select_n3A_107 : vector<16xi32> to vector<1x16xi32>
      tpu.vector_store %arg6[%swap3A_109, %swap3A_110], %swap3A_113 {strides = array<i32>} : memref<3x128xi32, #tpu.memory_space<vmem>>, vector<1x16xi32>,
      %get3A_114 = arith.constant 2 : i32
      %get3A_115 = arith.index_cast %get3A_114 : i32 to index
      %get3A_116 = arith.constant 64 : index
      %get3A_117 = tpu.vector_load %arg6[%get3A_115, %get3A_116] {strides = array<i32>} : memref<3x128xi32, #tpu.memory_space<vmem>>, vector<1x16xi32>,
      %get3A_118 = vector.shape_cast %get3A_117 : vector<1x16xi32> to vector<16xi32>
      %eq3A_119 = arith.constant 1 : i32
      %eq3A_120 = vector.broadcast %eq3A_119 : i32 to vector<16xi32>
      %eq3A_121 = arith.cmpi eq, %get3A_118, %eq3A_120 : vector<16xi32>
      %get3A_122 = arith.constant 1 : i32
      %get3A_123 = arith.index_cast %get3A_122 : i32 to index
      %get3A_124 = arith.constant 64 : index
      %get3A_125 = tpu.vector_load %arg6[%get3A_123, %get3A_124] {strides = array<i32>} : memref<3x128xi32, #tpu.memory_space<vmem>>, vector<1x16xi32>,
      %get3A_126 = vector.shape_cast %get3A_125 : vector<1x16xi32> to vector<16xi32>
      %select_n3A_127 = arith.select %eq3A_121, %get3A_126, %add3A_7 : vector<16xi1>, vector<16xi32>
      %swap3A_128 = arith.constant 1 : i32
      %swap3A_129 = arith.index_cast %swap3A_128 : i32 to index
      %swap3A_130 = arith.constant 64 : index
      %swap3A_131 = tpu.vector_load %arg6[%swap3A_129, %swap3A_130] {strides = array<i32>} : memref<3x128xi32, #tpu.memory_space<vmem>>, vector<1x16xi32>,
      %swap3A_132 = vector.shape_cast %swap3A_131 : vector<1x16xi32> to vector<16xi32>
      %swap3A_133 = vector.shape_cast %select_n3A_127 : vector<16xi32> to vector<1x16xi32>
      tpu.vector_store %arg6[%swap3A_129, %swap3A_130], %swap3A_133 {strides = array<i32>} : memref<3x128xi32, #tpu.memory_space<vmem>>, vector<1x16xi32>,
      %get3A_134 = arith.constant 2 : i32
      %get3A_135 = arith.index_cast %get3A_134 : i32 to index
      %get3A_136 = arith.constant 80 : index
      %get3A_137 = tpu.vector_load %arg6[%get3A_135, %get3A_136] {strides = array<i32>} : memref<3x128xi32, #tpu.memory_space<vmem>>, vector<1x16xi32>,
      %get3A_138 = vector.shape_cast %get3A_137 : vector<1x16xi32> to vector<16xi32>
      %eq3A_139 = arith.constant 1 : i32
      %eq3A_140 = vector.broadcast %eq3A_139 : i32 to vector<16xi32>
      %eq3A_141 = arith.cmpi eq, %get3A_138, %eq3A_140 : vector<16xi32>
      %get3A_142 = arith.constant 1 : i32
      %get3A_143 = arith.index_cast %get3A_142 : i32 to index
      %get3A_144 = arith.constant 80 : index
      %get3A_145 = tpu.vector_load %arg6[%get3A_143, %get3A_144] {strides = array<i32>} : memref<3x128xi32, #tpu.memory_space<vmem>>, vector<1x16xi32>,
      %get3A_146 = vector.shape_cast %get3A_145 : vector<1x16xi32> to vector<16xi32>
      %select_n3A_147 = arith.select %eq3A_141, %get3A_146, %add3A_7 : vector<16xi1>, vector<16xi32>
      %swap3A_148 = arith.constant 1 : i32
      %swap3A_149 = arith.index_cast %swap3A_148 : i32 to index
      %swap3A_150 = arith.constant 80 : index
      %swap3A_151 = tpu.vector_load %arg6[%swap3A_149, %swap3A_150] {strides = array<i32>} : memref<3x128xi32, #tpu.memory_space<vmem>>, vector<1x16xi32>,
      %swap3A_152 = vector.shape_cast %swap3A_151 : vector<1x16xi32> to vector<16xi32>
      %swap3A_153 = vector.shape_cast %select_n3A_147 : vector<16xi32> to vector<1x16xi32>
      tpu.vector_store %arg6[%swap3A_149, %swap3A_150], %swap3A_153 {strides = array<i32>} : memref<3x128xi32, #tpu.memory_space<vmem>>, vector<1x16xi32>,
      %get3A_154 = arith.constant 2 : i32
      %get3A_155 = arith.index_cast %get3A_154 : i32 to index
      %get3A_156 = arith.constant 96 : index
      %get3A_157 = tpu.vector_load %arg6[%get3A_155, %get3A_156] {strides = array<i32>} : memref<3x128xi32, #tpu.memory_space<vmem>>, vector<1x16xi32>,
      %get3A_158 = vector.shape_cast %get3A_157 : vector<1x16xi32> to vector<16xi32>
      %eq3A_159 = arith.constant 1 : i32
      %eq3A_160 = vector.broadcast %eq3A_159 : i32 to vector<16xi32>
      %eq3A_161 = arith.cmpi eq, %get3A_158, %eq3A_160 : vector<16xi32>
      %get3A_162 = arith.constant 1 : i32
      %get3A_163 = arith.index_cast %get3A_162 : i32 to index
      %get3A_164 = arith.constant 96 : index
      %get3A_165 = tpu.vector_load %arg6[%get3A_163, %get3A_164] {strides = array<i32>} : memref<3x128xi32, #tpu.memory_space<vmem>>, vector<1x16xi32>,
      %get3A_166 = vector.shape_cast %get3A_165 : vector<1x16xi32> to vector<16xi32>
      %select_n3A_167 = arith.select %eq3A_161, %get3A_166, %add3A_7 : vector<16xi1>, vector<16xi32>
      %swap3A_168 = arith.constant 1 : i32
      %swap3A_169 = arith.index_cast %swap3A_168 : i32 to index
      %swap3A_170 = arith.constant 96 : index
      %swap3A_171 = tpu.vector_load %arg6[%swap3A_169, %swap3A_170] {strides = array<i32>} : memref<3x128xi32, #tpu.memory_space<vmem>>, vector<1x16xi32>,
      %swap3A_172 = vector.shape_cast %swap3A_171 : vector<1x16xi32> to vector<16xi32>
      %swap3A_173 = vector.shape_cast %select_n3A_167 : vector<16xi32> to vector<1x16xi32>
      tpu.vector_store %arg6[%swap3A_169, %swap3A_170], %swap3A_173 {strides = array<i32>} : memref<3x128xi32, #tpu.memory_space<vmem>>, vector<1x16xi32>,
      %get3A_174 = arith.constant 2 : i32
      %get3A_175 = arith.index_cast %get3A_174 : i32 to index
      %get3A_176 = arith.constant 112 : index
      %get3A_177 = tpu.vector_load %arg6[%get3A_175, %get3A_176] {strides = array<i32>} : memref<3x128xi32, #tpu.memory_space<vmem>>, vector<1x16xi32>,
      %get3A_178 = vector.shape_cast %get3A_177 : vector<1x16xi32> to vector<16xi32>
      %eq3A_179 = arith.constant 1 : i32
      %eq3A_180 = vector.broadcast %eq3A_179 : i32 to vector<16xi32>
      %eq3A_181 = arith.cmpi eq, %get3A_178, %eq3A_180 : vector<16xi32>
      %get3A_182 = arith.constant 1 : i32
      %get3A_183 = arith.index_cast %get3A_182 : i32 to index
      %get3A_184 = arith.constant 112 : index
      %get3A_185 = tpu.vector_load %arg6[%get3A_183, %get3A_184] {strides = array<i32>} : memref<3x128xi32, #tpu.memory_space<vmem>>, vector<1x16xi32>,
      %get3A_186 = vector.shape_cast %get3A_185 : vector<1x16xi32> to vector<16xi32>
      %select_n3A_187 = arith.select %eq3A_181, %get3A_186, %add3A_7 : vector<16xi1>, vector<16xi32>
      %swap3A_188 = arith.constant 1 : i32
      %swap3A_189 = arith.index_cast %swap3A_188 : i32 to index
      %swap3A_190 = arith.constant 112 : index
      %swap3A_191 = tpu.vector_load %arg6[%swap3A_189, %swap3A_190] {strides = array<i32>} : memref<3x128xi32, #tpu.memory_space<vmem>>, vector<1x16xi32>,
      %swap3A_192 = vector.shape_cast %swap3A_191 : vector<1x16xi32> to vector<16xi32>
      %swap3A_193 = vector.shape_cast %select_n3A_187 : vector<16xi32> to vector<1x16xi32>
      tpu.vector_store %arg6[%swap3A_189, %swap3A_190], %swap3A_193 {strides = array<i32>} : memref<3x128xi32, #tpu.memory_space<vmem>>, vector<1x16xi32>,
      %run_scoped3A = arith.constant 1 : i32
      "tpu.region"() ({
        %run_scoped3A_194 = tpu.sem_alloc : memref<!tpu.dma_semaphore, #tpu.memory_space<semaphore_mem>>
        %dma_start3A_195 = arith.constant 0 : i32
        %dma_start3A_196 = tpu.memref_slice %arg6[%run_scoped3A, %dma_start3A_195] : memref<3x128xi32, #tpu.memory_space<vmem>> -> memref<1x128xi32, #tpu.memory_space<vmem>>
        %dma_start3A_197 = tpu.memref_squeeze %dma_start3A_196 : memref<1x128xi32, #tpu.memory_space<vmem>> -> memref<128xi32, #tpu.memory_space<vmem>>
        %dma_start3A_198 = arith.constant 0 : i32
        %dma_start3A_199 = arith.constant 0 : i32
        %dma_start3A_200 = tpu.memref_slice %arg10[%dma_start3A_198, %dma_start3A_199] : memref<10240x64xf32, #tpu.memory_space<vmem_shared>> -> memref<10240x64xf32, #tpu.memory_space<vmem_shared>>
        tpu.enqueue_indirect_dma source(%arg8 : memref<128x64xf32, #tpu.memory_space<vmem>>) target(%dma_start3A_200 : memref<10240x64xf32, #tpu.memory_space<vmem_shared>>) offsets(%dma_start3A_197 : memref<128xi32, #tpu.memory_space<vmem>>) semaphore(%run_scoped3A_194 : memref<!tpu.dma_semaphore, #tpu.memory_space<semaphore_mem>>) {add = true}
        %dma_wait3A_201 = arith.constant 0 : i32
        %dma_wait3A_202 = tpu.memref_slice %arg6[%run_scoped3A, %dma_wait3A_201] : memref<3x128xi32, #tpu.memory_space<vmem>> -> memref<1x128xi32, #tpu.memory_space<vmem>>
        %dma_wait3A_203 = tpu.memref_squeeze %dma_wait3A_202 : memref<1x128xi32, #tpu.memory_space<vmem>> -> memref<128xi32, #tpu.memory_space<vmem>>
        %dma_wait3A_204 = arith.constant 0 : i32
        %dma_wait3A_205 = arith.constant 0 : i32
        %dma_wait3A_206 = tpu.memref_slice %arg10[%dma_wait3A_204, %dma_wait3A_205] : memref<10240x64xf32, #tpu.memory_space<vmem_shared>> -> memref<10240x64xf32, #tpu.memory_space<vmem_shared>>
        tpu.wait_indirect_dma semaphore(%run_scoped3A_194 : memref<!tpu.dma_semaphore, #tpu.memory_space<semaphore_mem>>) src(%arg8 : memref<128x64xf32, #tpu.memory_space<vmem>>) dst(%dma_wait3A_206 : memref<10240x64xf32, #tpu.memory_space<vmem_shared>>)
        tpu.yield
      }) : () -> ()
    }
    %scan3A_12 = arith.constant 80 : i32
    %barrier3A_13 = arith.constant 0 : index
    tpu.barrier barrier_id(%barrier3A_13)
    "tpu.region"() ({
      %run_scoped3A = tpu.sem_alloc : memref<!tpu.dma_semaphore, #tpu.memory_space<semaphore_mem>>
      %dma_start3A = arith.constant 0 : i32
      %dma_start3A_14 = tpu.memref_slice %arg5[%arg0, %mul3A_2, %dma_start3A] : memref<2x10240x64xf32, #tpu.memory_space<hbm>> -> memref<1x640x64xf32, #tpu.memory_space<hbm>>
      %dma_start3A_15 = tpu.memref_squeeze %dma_start3A_14 : memref<1x640x64xf32, #tpu.memory_space<hbm>> -> memref<640x64xf32, #tpu.memory_space<hbm>>
      %dma_start3A_16 = arith.constant 0 : i32
      %dma_start3A_17 = tpu.memref_slice %arg10[%mul3A_2, %dma_start3A_16] : memref<10240x64xf32, #tpu.memory_space<vmem_shared>> -> memref<640x64xf32, #tpu.memory_space<vmem_shared>>
      tpu.enqueue_dma source(%dma_start3A_17 : memref<640x64xf32, #tpu.memory_space<vmem_shared>>) target(%dma_start3A_15 : memref<640x64xf32, #tpu.memory_space<hbm>>) target_semaphore(%run_scoped3A : memref<!tpu.dma_semaphore, #tpu.memory_space<semaphore_mem>>)
      %dma_wait3A = arith.constant 0 : i32
      %dma_wait3A_18 = tpu.memref_slice %arg5[%arg0, %mul3A_2, %dma_wait3A] : memref<2x10240x64xf32, #tpu.memory_space<hbm>> -> memref<1x640x64xf32, #tpu.memory_space<hbm>>
      %dma_wait3A_19 = tpu.memref_squeeze %dma_wait3A_18 : memref<1x640x64xf32, #tpu.memory_space<hbm>> -> memref<640x64xf32, #tpu.memory_space<hbm>>
      %dma_wait3A_20 = arith.constant 0 : i32
      %dma_wait3A_21 = tpu.memref_slice %arg10[%mul3A_2, %dma_wait3A_20] : memref<10240x64xf32, #tpu.memory_space<vmem_shared>> -> memref<640x64xf32, #tpu.memory_space<vmem_shared>>
      tpu.wait_dma2 semaphore(%run_scoped3A : memref<!tpu.dma_semaphore, #tpu.memory_space<semaphore_mem>>) src(%dma_wait3A_21 : memref<640x64xf32, #tpu.memory_space<vmem_shared>>) dst(%dma_wait3A_19 : memref<640x64xf32, #tpu.memory_space<hbm>>)
      tpu.yield
    }) : () -> ()
    return
  }
}

#map = affine_map<(d0, d1) -> (0, 0)>
#map1 = affine_map<(d0, d1) -> (0, 0, 0)>
module attributes {stable_mosaic.version = 14 : i64} {
  func.func @agg(%arg0: i32, %arg1: i32, %arg2: memref<10240x64xf32, #tpu.memory_space<hbm>>, %arg3: memref<3x327680xi32, #tpu.memory_space<hbm>>, %arg4: memref<10240x64xf32, #tpu.memory_space<hbm>>, %arg5: memref<2x10240x64xf32, #tpu.memory_space<hbm>>, %arg6: memref<3x128xi32, #tpu.memory_space<vmem>>, %arg7: memref<3x128xi32, #tpu.memory_space<vmem>>, %arg8: memref<128x64xf32, #tpu.memory_space<vmem>>, %arg9: memref<128x64xf32, #tpu.memory_space<vmem>>, %arg10: memref<10240x64xf32, #tpu.memory_space<vmem_shared>>, %arg11: memref<!tpu.dma_semaphore, #tpu.memory_space<semaphore_mem>>, %arg12: memref<!tpu.dma_semaphore, #tpu.memory_space<semaphore_mem>>, %arg13: memref<!tpu.dma_semaphore, #tpu.memory_space<semaphore_mem>>, %arg14: memref<!tpu.dma_semaphore, #tpu.memory_space<semaphore_mem>>) attributes {dimension_semantics = [#tpu.dimension_semantics<core_parallel>, #tpu.dimension_semantics<subcore_parallel>], iteration_bounds = array<i64: 2, 16>, scalar_prefetch = 0 : i64, scratch_operands = 9 : i64, tpu.core_type = #tpu.core_type<sc_vector_subcore>, window_params = [{transform_indices = #map}, {transform_indices = #map}, {transform_indices = #map}, {transform_indices = #map1}]} {
    %mul3A = arith.constant 2 : i32
    %mul3A_0 = arith.muli %arg1, %mul3A : i32
    %add3A = arith.addi %mul3A_0, %arg0 : i32
    %mul3A_1 = arith.constant 640 : i32
    %mul3A_2 = arith.muli %arg1, %mul3A_1 : i32
    "tpu.region"() ({
      %run_scoped3A = tpu.sem_alloc : memref<!tpu.dma_semaphore, #tpu.memory_space<semaphore_mem>>
      %dma_start3A = arith.constant 0 : i32
      %dma_start3A_14 = tpu.memref_slice %arg10[%mul3A_2, %dma_start3A] : memref<10240x64xf32, #tpu.memory_space<vmem_shared>> -> memref<640x64xf32, #tpu.memory_space<vmem_shared>>
      %dma_start3A_15 = arith.constant 0 : i32
      %dma_start3A_16 = tpu.memref_slice %arg4[%mul3A_2, %dma_start3A_15] : memref<10240x64xf32, #tpu.memory_space<hbm>> -> memref<640x64xf32, #tpu.memory_space<hbm>>
      tpu.enqueue_dma source(%dma_start3A_16 : memref<640x64xf32, #tpu.memory_space<hbm>>) target(%dma_start3A_14 : memref<640x64xf32, #tpu.memory_space<vmem_shared>>) target_semaphore(%run_scoped3A : memref<!tpu.dma_semaphore, #tpu.memory_space<semaphore_mem>>)
      %dma_wait3A = arith.constant 0 : i32
      %dma_wait3A_17 = tpu.memref_slice %arg10[%mul3A_2, %dma_wait3A] : memref<10240x64xf32, #tpu.memory_space<vmem_shared>> -> memref<640x64xf32, #tpu.memory_space<vmem_shared>>
      %dma_wait3A_18 = arith.constant 0 : i32
      %dma_wait3A_19 = tpu.memref_slice %arg4[%mul3A_2, %dma_wait3A_18] : memref<10240x64xf32, #tpu.memory_space<hbm>> -> memref<640x64xf32, #tpu.memory_space<hbm>>
      tpu.wait_dma2 semaphore(%run_scoped3A : memref<!tpu.dma_semaphore, #tpu.memory_space<semaphore_mem>>) src(%dma_wait3A_19 : memref<640x64xf32, #tpu.memory_space<hbm>>) dst(%dma_wait3A_17 : memref<640x64xf32, #tpu.memory_space<vmem_shared>>)
      tpu.yield
    }) : () -> ()
    %barrier3A = arith.constant 0 : index
    tpu.barrier barrier_id(%barrier3A)
    %mul3A_3 = arith.constant 10240 : i32
    %mul3A_4 = arith.muli %add3A, %mul3A_3 : i32
    %iota3A = tpu.iota {dimensions = array<i32: 0>} : vector<16xi32>
    %add3A_5 = arith.constant 10000 : i32
    %add3A_6 = vector.broadcast %add3A_5 : i32 to vector<16xi32>
    %add3A_7 = arith.addi %iota3A, %add3A_6 : vector<16xi32>
    %scan3A = arith.constant 0 : i32
    %scan3A_8 = arith.constant 0 : i32
    %scan3A_9 = arith.constant 80 : i32
    %scan3A_10 = arith.addi %scan3A_8, %scan3A_9 : i32
    %scan3A_11 = arith.constant 1 : i32
    scf.for %scan3A_14 = %scan3A_8 to %scan3A_10 step %scan3A_11  : i32 {
      %mul3A_15 = arith.constant 128 : i32
      %mul3A_16 = arith.muli %scan3A_14, %mul3A_15 : i32
      %add3A_17 = arith.addi %mul3A_4, %mul3A_16 : i32
      %dma_start3A = arith.constant 0 : i32
      %dma_start3A_18 = tpu.memref_slice %arg3[%dma_start3A, %add3A_17] : memref<3x327680xi32, #tpu.memory_space<hbm>> -> memref<3x128xi32, #tpu.memory_space<hbm>>
      %dma_start3A_19 = arith.constant 0 : i32
      %dma_start3A_20 = tpu.memref_slice %arg3[%dma_start3A_19, %add3A_17] : memref<3x327680xi32, #tpu.memory_space<hbm>> -> memref<3x128xi32, #tpu.memory_space<hbm>>
      tpu.enqueue_dma source(%dma_start3A_20 : memref<3x128xi32, #tpu.memory_space<hbm>>) target(%arg6 : memref<3x128xi32, #tpu.memory_space<vmem>>) target_semaphore(%arg11 : memref<!tpu.dma_semaphore, #tpu.memory_space<semaphore_mem>>)
      %dma_wait3A = arith.constant 0 : i32
      %dma_wait3A_21 = tpu.memref_slice %arg3[%dma_wait3A, %add3A_17] : memref<3x327680xi32, #tpu.memory_space<hbm>> -> memref<3x128xi32, #tpu.memory_space<hbm>>
      %dma_wait3A_22 = arith.constant 0 : i32
      %dma_wait3A_23 = tpu.memref_slice %arg3[%dma_wait3A_22, %add3A_17] : memref<3x327680xi32, #tpu.memory_space<hbm>> -> memref<3x128xi32, #tpu.memory_space<hbm>>
      tpu.wait_dma2 semaphore(%arg11 : memref<!tpu.dma_semaphore, #tpu.memory_space<semaphore_mem>>) src(%dma_wait3A_23 : memref<3x128xi32, #tpu.memory_space<hbm>>) dst(%arg6 : memref<3x128xi32, #tpu.memory_space<vmem>>)
      %dma_start3A_24 = arith.constant 0 : i32
      %dma_start3A_25 = arith.constant 0 : i32
      %dma_start3A_26 = tpu.memref_slice %arg6[%dma_start3A_24, %dma_start3A_25] : memref<3x128xi32, #tpu.memory_space<vmem>> -> memref<1x128xi32, #tpu.memory_space<vmem>>
      %dma_start3A_27 = tpu.memref_squeeze %dma_start3A_26 : memref<1x128xi32, #tpu.memory_space<vmem>> -> memref<128xi32, #tpu.memory_space<vmem>>
      %dma_start3A_28 = arith.constant 0 : i32
      %dma_start3A_29 = arith.constant 0 : i32
      %dma_start3A_30 = tpu.memref_slice %arg2[%dma_start3A_28, %dma_start3A_29] : memref<10240x64xf32, #tpu.memory_space<hbm>> -> memref<10240x64xf32, #tpu.memory_space<hbm>>
      tpu.enqueue_indirect_dma source(%dma_start3A_30 : memref<10240x64xf32, #tpu.memory_space<hbm>>) target(%arg8 : memref<128x64xf32, #tpu.memory_space<vmem>>) offsets(%dma_start3A_27 : memref<128xi32, #tpu.memory_space<vmem>>) semaphore(%arg13 : memref<!tpu.dma_semaphore, #tpu.memory_space<semaphore_mem>>)
      %dma_wait3A_31 = arith.constant 0 : i32
      %dma_wait3A_32 = arith.constant 0 : i32
      %dma_wait3A_33 = tpu.memref_slice %arg6[%dma_wait3A_31, %dma_wait3A_32] : memref<3x128xi32, #tpu.memory_space<vmem>> -> memref<1x128xi32, #tpu.memory_space<vmem>>
      %dma_wait3A_34 = tpu.memref_squeeze %dma_wait3A_33 : memref<1x128xi32, #tpu.memory_space<vmem>> -> memref<128xi32, #tpu.memory_space<vmem>>
      %dma_wait3A_35 = arith.constant 0 : i32
      %dma_wait3A_36 = arith.constant 0 : i32
      %dma_wait3A_37 = tpu.memref_slice %arg2[%dma_wait3A_35, %dma_wait3A_36] : memref<10240x64xf32, #tpu.memory_space<hbm>> -> memref<10240x64xf32, #tpu.memory_space<hbm>>
      tpu.wait_indirect_dma semaphore(%arg13 : memref<!tpu.dma_semaphore, #tpu.memory_space<semaphore_mem>>) src(%dma_wait3A_37 : memref<10240x64xf32, #tpu.memory_space<hbm>>) dst(%arg8 : memref<128x64xf32, #tpu.memory_space<vmem>>)
      %get3A = arith.constant 2 : i32
      %get3A_38 = arith.index_cast %get3A : i32 to index
      %get3A_39 = arith.constant 0 : index
      %get3A_40 = tpu.vector_load %arg6[%get3A_38, %get3A_39] {strides = array<i32>} : memref<3x128xi32, #tpu.memory_space<vmem>>, vector<1x16xi32>,
      %get3A_41 = vector.shape_cast %get3A_40 : vector<1x16xi32> to vector<16xi32>
      %eq3A = arith.constant 2 : i32
      %eq3A_42 = vector.broadcast %eq3A : i32 to vector<16xi32>
      %eq3A_43 = arith.cmpi eq, %get3A_41, %eq3A_42 : vector<16xi32>
      %get3A_44 = arith.constant 1 : i32
      %get3A_45 = arith.index_cast %get3A_44 : i32 to index
      %get3A_46 = arith.constant 0 : index
      %get3A_47 = tpu.vector_load %arg6[%get3A_45, %get3A_46] {strides = array<i32>} : memref<3x128xi32, #tpu.memory_space<vmem>>, vector<1x16xi32>,
      %get3A_48 = vector.shape_cast %get3A_47 : vector<1x16xi32> to vector<16xi32>
      %select_n3A = arith.select %eq3A_43, %get3A_48, %add3A_7 : vector<16xi1>, vector<16xi32>
      %swap3A = arith.constant 1 : i32
      %swap3A_49 = arith.index_cast %swap3A : i32 to index
      %swap3A_50 = arith.constant 0 : index
      %swap3A_51 = tpu.vector_load %arg6[%swap3A_49, %swap3A_50] {strides = array<i32>} : memref<3x128xi32, #tpu.memory_space<vmem>>, vector<1x16xi32>,
      %swap3A_52 = vector.shape_cast %swap3A_51 : vector<1x16xi32> to vector<16xi32>
      %swap3A_53 = vector.shape_cast %select_n3A : vector<16xi32> to vector<1x16xi32>
      tpu.vector_store %arg6[%swap3A_49, %swap3A_50], %swap3A_53 {strides = array<i32>} : memref<3x128xi32, #tpu.memory_space<vmem>>, vector<1x16xi32>,
      %get3A_54 = arith.constant 2 : i32
      %get3A_55 = arith.index_cast %get3A_54 : i32 to index
      %get3A_56 = arith.constant 16 : index
      %get3A_57 = tpu.vector_load %arg6[%get3A_55, %get3A_56] {strides = array<i32>} : memref<3x128xi32, #tpu.memory_space<vmem>>, vector<1x16xi32>,
      %get3A_58 = vector.shape_cast %get3A_57 : vector<1x16xi32> to vector<16xi32>
      %eq3A_59 = arith.constant 2 : i32
      %eq3A_60 = vector.broadcast %eq3A_59 : i32 to vector<16xi32>
      %eq3A_61 = arith.cmpi eq, %get3A_58, %eq3A_60 : vector<16xi32>
      %get3A_62 = arith.constant 1 : i32
      %get3A_63 = arith.index_cast %get3A_62 : i32 to index
      %get3A_64 = arith.constant 16 : index
      %get3A_65 = tpu.vector_load %arg6[%get3A_63, %get3A_64] {strides = array<i32>} : memref<3x128xi32, #tpu.memory_space<vmem>>, vector<1x16xi32>,
      %get3A_66 = vector.shape_cast %get3A_65 : vector<1x16xi32> to vector<16xi32>
      %select_n3A_67 = arith.select %eq3A_61, %get3A_66, %add3A_7 : vector<16xi1>, vector<16xi32>
      %swap3A_68 = arith.constant 1 : i32
      %swap3A_69 = arith.index_cast %swap3A_68 : i32 to index
      %swap3A_70 = arith.constant 16 : index
      %swap3A_71 = tpu.vector_load %arg6[%swap3A_69, %swap3A_70] {strides = array<i32>} : memref<3x128xi32, #tpu.memory_space<vmem>>, vector<1x16xi32>,
      %swap3A_72 = vector.shape_cast %swap3A_71 : vector<1x16xi32> to vector<16xi32>
      %swap3A_73 = vector.shape_cast %select_n3A_67 : vector<16xi32> to vector<1x16xi32>
      tpu.vector_store %arg6[%swap3A_69, %swap3A_70], %swap3A_73 {strides = array<i32>} : memref<3x128xi32, #tpu.memory_space<vmem>>, vector<1x16xi32>,
      %get3A_74 = arith.constant 2 : i32
      %get3A_75 = arith.index_cast %get3A_74 : i32 to index
      %get3A_76 = arith.constant 32 : index
      %get3A_77 = tpu.vector_load %arg6[%get3A_75, %get3A_76] {strides = array<i32>} : memref<3x128xi32, #tpu.memory_space<vmem>>, vector<1x16xi32>,
      %get3A_78 = vector.shape_cast %get3A_77 : vector<1x16xi32> to vector<16xi32>
      %eq3A_79 = arith.constant 2 : i32
      %eq3A_80 = vector.broadcast %eq3A_79 : i32 to vector<16xi32>
      %eq3A_81 = arith.cmpi eq, %get3A_78, %eq3A_80 : vector<16xi32>
      %get3A_82 = arith.constant 1 : i32
      %get3A_83 = arith.index_cast %get3A_82 : i32 to index
      %get3A_84 = arith.constant 32 : index
      %get3A_85 = tpu.vector_load %arg6[%get3A_83, %get3A_84] {strides = array<i32>} : memref<3x128xi32, #tpu.memory_space<vmem>>, vector<1x16xi32>,
      %get3A_86 = vector.shape_cast %get3A_85 : vector<1x16xi32> to vector<16xi32>
      %select_n3A_87 = arith.select %eq3A_81, %get3A_86, %add3A_7 : vector<16xi1>, vector<16xi32>
      %swap3A_88 = arith.constant 1 : i32
      %swap3A_89 = arith.index_cast %swap3A_88 : i32 to index
      %swap3A_90 = arith.constant 32 : index
      %swap3A_91 = tpu.vector_load %arg6[%swap3A_89, %swap3A_90] {strides = array<i32>} : memref<3x128xi32, #tpu.memory_space<vmem>>, vector<1x16xi32>,
      %swap3A_92 = vector.shape_cast %swap3A_91 : vector<1x16xi32> to vector<16xi32>
      %swap3A_93 = vector.shape_cast %select_n3A_87 : vector<16xi32> to vector<1x16xi32>
      tpu.vector_store %arg6[%swap3A_89, %swap3A_90], %swap3A_93 {strides = array<i32>} : memref<3x128xi32, #tpu.memory_space<vmem>>, vector<1x16xi32>,
      %get3A_94 = arith.constant 2 : i32
      %get3A_95 = arith.index_cast %get3A_94 : i32 to index
      %get3A_96 = arith.constant 48 : index
      %get3A_97 = tpu.vector_load %arg6[%get3A_95, %get3A_96] {strides = array<i32>} : memref<3x128xi32, #tpu.memory_space<vmem>>, vector<1x16xi32>,
      %get3A_98 = vector.shape_cast %get3A_97 : vector<1x16xi32> to vector<16xi32>
      %eq3A_99 = arith.constant 2 : i32
      %eq3A_100 = vector.broadcast %eq3A_99 : i32 to vector<16xi32>
      %eq3A_101 = arith.cmpi eq, %get3A_98, %eq3A_100 : vector<16xi32>
      %get3A_102 = arith.constant 1 : i32
      %get3A_103 = arith.index_cast %get3A_102 : i32 to index
      %get3A_104 = arith.constant 48 : index
      %get3A_105 = tpu.vector_load %arg6[%get3A_103, %get3A_104] {strides = array<i32>} : memref<3x128xi32, #tpu.memory_space<vmem>>, vector<1x16xi32>,
      %get3A_106 = vector.shape_cast %get3A_105 : vector<1x16xi32> to vector<16xi32>
      %select_n3A_107 = arith.select %eq3A_101, %get3A_106, %add3A_7 : vector<16xi1>, vector<16xi32>
      %swap3A_108 = arith.constant 1 : i32
      %swap3A_109 = arith.index_cast %swap3A_108 : i32 to index
      %swap3A_110 = arith.constant 48 : index
      %swap3A_111 = tpu.vector_load %arg6[%swap3A_109, %swap3A_110] {strides = array<i32>} : memref<3x128xi32, #tpu.memory_space<vmem>>, vector<1x16xi32>,
      %swap3A_112 = vector.shape_cast %swap3A_111 : vector<1x16xi32> to vector<16xi32>
      %swap3A_113 = vector.shape_cast %select_n3A_107 : vector<16xi32> to vector<1x16xi32>
      tpu.vector_store %arg6[%swap3A_109, %swap3A_110], %swap3A_113 {strides = array<i32>} : memref<3x128xi32, #tpu.memory_space<vmem>>, vector<1x16xi32>,
      %get3A_114 = arith.constant 2 : i32
      %get3A_115 = arith.index_cast %get3A_114 : i32 to index
      %get3A_116 = arith.constant 64 : index
      %get3A_117 = tpu.vector_load %arg6[%get3A_115, %get3A_116] {strides = array<i32>} : memref<3x128xi32, #tpu.memory_space<vmem>>, vector<1x16xi32>,
      %get3A_118 = vector.shape_cast %get3A_117 : vector<1x16xi32> to vector<16xi32>
      %eq3A_119 = arith.constant 2 : i32
      %eq3A_120 = vector.broadcast %eq3A_119 : i32 to vector<16xi32>
      %eq3A_121 = arith.cmpi eq, %get3A_118, %eq3A_120 : vector<16xi32>
      %get3A_122 = arith.constant 1 : i32
      %get3A_123 = arith.index_cast %get3A_122 : i32 to index
      %get3A_124 = arith.constant 64 : index
      %get3A_125 = tpu.vector_load %arg6[%get3A_123, %get3A_124] {strides = array<i32>} : memref<3x128xi32, #tpu.memory_space<vmem>>, vector<1x16xi32>,
      %get3A_126 = vector.shape_cast %get3A_125 : vector<1x16xi32> to vector<16xi32>
      %select_n3A_127 = arith.select %eq3A_121, %get3A_126, %add3A_7 : vector<16xi1>, vector<16xi32>
      %swap3A_128 = arith.constant 1 : i32
      %swap3A_129 = arith.index_cast %swap3A_128 : i32 to index
      %swap3A_130 = arith.constant 64 : index
      %swap3A_131 = tpu.vector_load %arg6[%swap3A_129, %swap3A_130] {strides = array<i32>} : memref<3x128xi32, #tpu.memory_space<vmem>>, vector<1x16xi32>,
      %swap3A_132 = vector.shape_cast %swap3A_131 : vector<1x16xi32> to vector<16xi32>
      %swap3A_133 = vector.shape_cast %select_n3A_127 : vector<16xi32> to vector<1x16xi32>
      tpu.vector_store %arg6[%swap3A_129, %swap3A_130], %swap3A_133 {strides = array<i32>} : memref<3x128xi32, #tpu.memory_space<vmem>>, vector<1x16xi32>,
      %get3A_134 = arith.constant 2 : i32
      %get3A_135 = arith.index_cast %get3A_134 : i32 to index
      %get3A_136 = arith.constant 80 : index
      %get3A_137 = tpu.vector_load %arg6[%get3A_135, %get3A_136] {strides = array<i32>} : memref<3x128xi32, #tpu.memory_space<vmem>>, vector<1x16xi32>,
      %get3A_138 = vector.shape_cast %get3A_137 : vector<1x16xi32> to vector<16xi32>
      %eq3A_139 = arith.constant 2 : i32
      %eq3A_140 = vector.broadcast %eq3A_139 : i32 to vector<16xi32>
      %eq3A_141 = arith.cmpi eq, %get3A_138, %eq3A_140 : vector<16xi32>
      %get3A_142 = arith.constant 1 : i32
      %get3A_143 = arith.index_cast %get3A_142 : i32 to index
      %get3A_144 = arith.constant 80 : index
      %get3A_145 = tpu.vector_load %arg6[%get3A_143, %get3A_144] {strides = array<i32>} : memref<3x128xi32, #tpu.memory_space<vmem>>, vector<1x16xi32>,
      %get3A_146 = vector.shape_cast %get3A_145 : vector<1x16xi32> to vector<16xi32>
      %select_n3A_147 = arith.select %eq3A_141, %get3A_146, %add3A_7 : vector<16xi1>, vector<16xi32>
      %swap3A_148 = arith.constant 1 : i32
      %swap3A_149 = arith.index_cast %swap3A_148 : i32 to index
      %swap3A_150 = arith.constant 80 : index
      %swap3A_151 = tpu.vector_load %arg6[%swap3A_149, %swap3A_150] {strides = array<i32>} : memref<3x128xi32, #tpu.memory_space<vmem>>, vector<1x16xi32>,
      %swap3A_152 = vector.shape_cast %swap3A_151 : vector<1x16xi32> to vector<16xi32>
      %swap3A_153 = vector.shape_cast %select_n3A_147 : vector<16xi32> to vector<1x16xi32>
      tpu.vector_store %arg6[%swap3A_149, %swap3A_150], %swap3A_153 {strides = array<i32>} : memref<3x128xi32, #tpu.memory_space<vmem>>, vector<1x16xi32>,
      %get3A_154 = arith.constant 2 : i32
      %get3A_155 = arith.index_cast %get3A_154 : i32 to index
      %get3A_156 = arith.constant 96 : index
      %get3A_157 = tpu.vector_load %arg6[%get3A_155, %get3A_156] {strides = array<i32>} : memref<3x128xi32, #tpu.memory_space<vmem>>, vector<1x16xi32>,
      %get3A_158 = vector.shape_cast %get3A_157 : vector<1x16xi32> to vector<16xi32>
      %eq3A_159 = arith.constant 2 : i32
      %eq3A_160 = vector.broadcast %eq3A_159 : i32 to vector<16xi32>
      %eq3A_161 = arith.cmpi eq, %get3A_158, %eq3A_160 : vector<16xi32>
      %get3A_162 = arith.constant 1 : i32
      %get3A_163 = arith.index_cast %get3A_162 : i32 to index
      %get3A_164 = arith.constant 96 : index
      %get3A_165 = tpu.vector_load %arg6[%get3A_163, %get3A_164] {strides = array<i32>} : memref<3x128xi32, #tpu.memory_space<vmem>>, vector<1x16xi32>,
      %get3A_166 = vector.shape_cast %get3A_165 : vector<1x16xi32> to vector<16xi32>
      %select_n3A_167 = arith.select %eq3A_161, %get3A_166, %add3A_7 : vector<16xi1>, vector<16xi32>
      %swap3A_168 = arith.constant 1 : i32
      %swap3A_169 = arith.index_cast %swap3A_168 : i32 to index
      %swap3A_170 = arith.constant 96 : index
      %swap3A_171 = tpu.vector_load %arg6[%swap3A_169, %swap3A_170] {strides = array<i32>} : memref<3x128xi32, #tpu.memory_space<vmem>>, vector<1x16xi32>,
      %swap3A_172 = vector.shape_cast %swap3A_171 : vector<1x16xi32> to vector<16xi32>
      %swap3A_173 = vector.shape_cast %select_n3A_167 : vector<16xi32> to vector<1x16xi32>
      tpu.vector_store %arg6[%swap3A_169, %swap3A_170], %swap3A_173 {strides = array<i32>} : memref<3x128xi32, #tpu.memory_space<vmem>>, vector<1x16xi32>,
      %get3A_174 = arith.constant 2 : i32
      %get3A_175 = arith.index_cast %get3A_174 : i32 to index
      %get3A_176 = arith.constant 112 : index
      %get3A_177 = tpu.vector_load %arg6[%get3A_175, %get3A_176] {strides = array<i32>} : memref<3x128xi32, #tpu.memory_space<vmem>>, vector<1x16xi32>,
      %get3A_178 = vector.shape_cast %get3A_177 : vector<1x16xi32> to vector<16xi32>
      %eq3A_179 = arith.constant 2 : i32
      %eq3A_180 = vector.broadcast %eq3A_179 : i32 to vector<16xi32>
      %eq3A_181 = arith.cmpi eq, %get3A_178, %eq3A_180 : vector<16xi32>
      %get3A_182 = arith.constant 1 : i32
      %get3A_183 = arith.index_cast %get3A_182 : i32 to index
      %get3A_184 = arith.constant 112 : index
      %get3A_185 = tpu.vector_load %arg6[%get3A_183, %get3A_184] {strides = array<i32>} : memref<3x128xi32, #tpu.memory_space<vmem>>, vector<1x16xi32>,
      %get3A_186 = vector.shape_cast %get3A_185 : vector<1x16xi32> to vector<16xi32>
      %select_n3A_187 = arith.select %eq3A_181, %get3A_186, %add3A_7 : vector<16xi1>, vector<16xi32>
      %swap3A_188 = arith.constant 1 : i32
      %swap3A_189 = arith.index_cast %swap3A_188 : i32 to index
      %swap3A_190 = arith.constant 112 : index
      %swap3A_191 = tpu.vector_load %arg6[%swap3A_189, %swap3A_190] {strides = array<i32>} : memref<3x128xi32, #tpu.memory_space<vmem>>, vector<1x16xi32>,
      %swap3A_192 = vector.shape_cast %swap3A_191 : vector<1x16xi32> to vector<16xi32>
      %swap3A_193 = vector.shape_cast %select_n3A_187 : vector<16xi32> to vector<1x16xi32>
      tpu.vector_store %arg6[%swap3A_189, %swap3A_190], %swap3A_193 {strides = array<i32>} : memref<3x128xi32, #tpu.memory_space<vmem>>, vector<1x16xi32>,
      %run_scoped3A = arith.constant 1 : i32
      "tpu.region"() ({
        %run_scoped3A_194 = tpu.sem_alloc : memref<!tpu.dma_semaphore, #tpu.memory_space<semaphore_mem>>
        %dma_start3A_195 = arith.constant 0 : i32
        %dma_start3A_196 = tpu.memref_slice %arg6[%run_scoped3A, %dma_start3A_195] : memref<3x128xi32, #tpu.memory_space<vmem>> -> memref<1x128xi32, #tpu.memory_space<vmem>>
        %dma_start3A_197 = tpu.memref_squeeze %dma_start3A_196 : memref<1x128xi32, #tpu.memory_space<vmem>> -> memref<128xi32, #tpu.memory_space<vmem>>
        %dma_start3A_198 = arith.constant 0 : i32
        %dma_start3A_199 = arith.constant 0 : i32
        %dma_start3A_200 = tpu.memref_slice %arg10[%dma_start3A_198, %dma_start3A_199] : memref<10240x64xf32, #tpu.memory_space<vmem_shared>> -> memref<10240x64xf32, #tpu.memory_space<vmem_shared>>
        tpu.enqueue_indirect_dma source(%arg8 : memref<128x64xf32, #tpu.memory_space<vmem>>) target(%dma_start3A_200 : memref<10240x64xf32, #tpu.memory_space<vmem_shared>>) offsets(%dma_start3A_197 : memref<128xi32, #tpu.memory_space<vmem>>) semaphore(%run_scoped3A_194 : memref<!tpu.dma_semaphore, #tpu.memory_space<semaphore_mem>>) {add = true}
        %dma_wait3A_201 = arith.constant 0 : i32
        %dma_wait3A_202 = tpu.memref_slice %arg6[%run_scoped3A, %dma_wait3A_201] : memref<3x128xi32, #tpu.memory_space<vmem>> -> memref<1x128xi32, #tpu.memory_space<vmem>>
        %dma_wait3A_203 = tpu.memref_squeeze %dma_wait3A_202 : memref<1x128xi32, #tpu.memory_space<vmem>> -> memref<128xi32, #tpu.memory_space<vmem>>
        %dma_wait3A_204 = arith.constant 0 : i32
        %dma_wait3A_205 = arith.constant 0 : i32
        %dma_wait3A_206 = tpu.memref_slice %arg10[%dma_wait3A_204, %dma_wait3A_205] : memref<10240x64xf32, #tpu.memory_space<vmem_shared>> -> memref<10240x64xf32, #tpu.memory_space<vmem_shared>>
        tpu.wait_indirect_dma semaphore(%run_scoped3A_194 : memref<!tpu.dma_semaphore, #tpu.memory_space<semaphore_mem>>) src(%arg8 : memref<128x64xf32, #tpu.memory_space<vmem>>) dst(%dma_wait3A_206 : memref<10240x64xf32, #tpu.memory_space<vmem_shared>>)
        tpu.yield
      }) : () -> ()
    }
    %scan3A_12 = arith.constant 80 : i32
    %barrier3A_13 = arith.constant 0 : index
    tpu.barrier barrier_id(%barrier3A_13)
    "tpu.region"() ({
      %run_scoped3A = tpu.sem_alloc : memref<!tpu.dma_semaphore, #tpu.memory_space<semaphore_mem>>
      %dma_start3A = arith.constant 0 : i32
      %dma_start3A_14 = tpu.memref_slice %arg5[%arg0, %mul3A_2, %dma_start3A] : memref<2x10240x64xf32, #tpu.memory_space<hbm>> -> memref<1x640x64xf32, #tpu.memory_space<hbm>>
      %dma_start3A_15 = tpu.memref_squeeze %dma_start3A_14 : memref<1x640x64xf32, #tpu.memory_space<hbm>> -> memref<640x64xf32, #tpu.memory_space<hbm>>
      %dma_start3A_16 = arith.constant 0 : i32
      %dma_start3A_17 = tpu.memref_slice %arg10[%mul3A_2, %dma_start3A_16] : memref<10240x64xf32, #tpu.memory_space<vmem_shared>> -> memref<640x64xf32, #tpu.memory_space<vmem_shared>>
      tpu.enqueue_dma source(%dma_start3A_17 : memref<640x64xf32, #tpu.memory_space<vmem_shared>>) target(%dma_start3A_15 : memref<640x64xf32, #tpu.memory_space<hbm>>) target_semaphore(%run_scoped3A : memref<!tpu.dma_semaphore, #tpu.memory_space<semaphore_mem>>)
      %dma_wait3A = arith.constant 0 : i32
      %dma_wait3A_18 = tpu.memref_slice %arg5[%arg0, %mul3A_2, %dma_wait3A] : memref<2x10240x64xf32, #tpu.memory_space<hbm>> -> memref<1x640x64xf32, #tpu.memory_space<hbm>>
      %dma_wait3A_19 = tpu.memref_squeeze %dma_wait3A_18 : memref<1x640x64xf32, #tpu.memory_space<hbm>> -> memref<640x64xf32, #tpu.memory_space<hbm>>
      %dma_wait3A_20 = arith.constant 0 : i32
      %dma_wait3A_21 = tpu.memref_slice %arg10[%mul3A_2, %dma_wait3A_20] : memref<10240x64xf32, #tpu.memory_space<vmem_shared>> -> memref<640x64xf32, #tpu.memory_space<vmem_shared>>
      tpu.wait_dma2 semaphore(%run_scoped3A : memref<!tpu.dma_semaphore, #tpu.memory_space<semaphore_mem>>) src(%dma_wait3A_21 : memref<640x64xf32, #tpu.memory_space<vmem_shared>>) dst(%dma_wait3A_19 : memref<640x64xf32, #tpu.memory_space<hbm>>)
      tpu.yield
    }) : () -> ()
    return
  }
}

module attributes {stable_mosaic.version = 14 : i64} {
  func.func @_init_mlp_body(%arg0: i32, %arg1: memref<512x128xf32, #tpu.memory_space<vmem>>, %arg2: memref<128x64xbf16, #tpu.memory_space<vmem>>, %arg3: memref<64x64xbf16, #tpu.memory_space<vmem>>, %arg4: memref<8x64xf32, #tpu.memory_space<vmem>>, %arg5: memref<512x64xf32, #tpu.memory_space<vmem>>) attributes {dimension_semantics = [#tpu.dimension_semantics<arbitrary>], iteration_bounds = array<i64: 20>, scalar_prefetch = 0 : i64, scratch_operands = 0 : i64, tpu.core_type = #tpu.core_type<tc>, window_params = [{transform_indices = @transform_0, window_bounds = array<i64: 512, 128>}, {pipeline_mode = #tpu.pipeline_mode<synchronous>, transform_indices = @transform_1, window_bounds = array<i64: 128, 64>}, {pipeline_mode = #tpu.pipeline_mode<synchronous>, transform_indices = @transform_2, window_bounds = array<i64: 64, 64>}, {pipeline_mode = #tpu.pipeline_mode<synchronous>, transform_indices = @transform_3, window_bounds = array<i64: 8, 64>}, {transform_indices = @transform_4, window_bounds = array<i64: 512, 64>}]} {
    %get3A = arith.constant 0 : index
    %get3A_0 = arith.constant 0 : index
    %get3A_1 = vector.load %arg4[%get3A, %get3A_0] : memref<8x64xf32, #tpu.memory_space<vmem>>, vector<8x64xf32>
    %get3A_2 = arith.constant 0 : index
    %get3A_3 = arith.constant 0 : index
    %get3A_4 = vector.load %arg1[%get3A_2, %get3A_3] : memref<512x128xf32, #tpu.memory_space<vmem>>, vector<512x128xf32>
    %get3A_5 = arith.constant 0 : index
    %get3A_6 = arith.constant 0 : index
    %get3A_7 = vector.load %arg2[%get3A_5, %get3A_6] : memref<128x64xbf16, #tpu.memory_space<vmem>>, vector<128x64xbf16>
    %convert_element_type3A = arith.truncf %get3A_4 : vector<512x128xf32> to vector<512x128xbf16>
    %dot_general3A = arith.constant dense<0.000000e+00> : vector<512x64xf32>
    %dot_general3A_8 = tpu.matmul %convert_element_type3A, %get3A_7, %dot_general3A {dimension_numbers = #tpu.dot_dimension_numbers<[1], [0], [0], [1], [0, 0, 1, 1], [], []>, transpose_lhs_hint = false} : vector<512x128xbf16>, vector<128x64xbf16>, vector<512x64xf32> -> vector<512x64xf32>
    %slice3A = vector.extract_strided_slice %get3A_1 {offsets = [0, 0], sizes = [1, 64], strides = [1, 1]} : vector<8x64xf32> to vector<1x64xf32>
    %add3A = vector.broadcast %slice3A : vector<1x64xf32> to vector<512x64xf32>
    %add3A_9 = arith.addf %dot_general3A_8, %add3A : vector<512x64xf32>
    %slice3A_10 = vector.extract_strided_slice %get3A_1 {offsets = [1, 0], sizes = [1, 64], strides = [1, 1]} : vector<8x64xf32> to vector<1x64xf32>
    %mul3A = vector.broadcast %slice3A_10 : vector<1x64xf32> to vector<512x64xf32>
    %mul3A_11 = arith.mulf %add3A_9, %mul3A : vector<512x64xf32>
    %slice3A_12 = vector.extract_strided_slice %get3A_1 {offsets = [2, 0], sizes = [1, 64], strides = [1, 1]} : vector<8x64xf32> to vector<1x64xf32>
    %add3A_13 = vector.broadcast %slice3A_12 : vector<1x64xf32> to vector<512x64xf32>
    %add3A_14 = arith.addf %mul3A_11, %add3A_13 : vector<512x64xf32>
    %max3A = arith.constant 0.000000e+00 : f32
    %max3A_15 = vector.broadcast %max3A : f32 to vector<512x64xf32>
    %max3A_16 = arith.maximumf %add3A_14, %max3A_15 : vector<512x64xf32>
    %get3A_17 = arith.constant 0 : index
    %get3A_18 = arith.constant 0 : index
    %get3A_19 = vector.load %arg3[%get3A_17, %get3A_18] : memref<64x64xbf16, #tpu.memory_space<vmem>>, vector<64x64xbf16>
    %convert_element_type3A_20 = arith.truncf %max3A_16 : vector<512x64xf32> to vector<512x64xbf16>
    %dot_general3A_21 = arith.constant dense<0.000000e+00> : vector<512x64xf32>
    %dot_general3A_22 = tpu.matmul %convert_element_type3A_20, %get3A_19, %dot_general3A_21 {dimension_numbers = #tpu.dot_dimension_numbers<[1], [0], [0], [1], [0, 0, 1, 1], [], []>, transpose_lhs_hint = false} : vector<512x64xbf16>, vector<64x64xbf16>, vector<512x64xf32> -> vector<512x64xf32>
    %slice3A_23 = vector.extract_strided_slice %get3A_1 {offsets = [3, 0], sizes = [1, 64], strides = [1, 1]} : vector<8x64xf32> to vector<1x64xf32>
    %add3A_24 = vector.broadcast %slice3A_23 : vector<1x64xf32> to vector<512x64xf32>
    %add3A_25 = arith.addf %dot_general3A_22, %add3A_24 : vector<512x64xf32>
    %slice3A_26 = vector.extract_strided_slice %get3A_1 {offsets = [4, 0], sizes = [1, 64], strides = [1, 1]} : vector<8x64xf32> to vector<1x64xf32>
    %mul3A_27 = vector.broadcast %slice3A_26 : vector<1x64xf32> to vector<512x64xf32>
    %mul3A_28 = arith.mulf %add3A_25, %mul3A_27 : vector<512x64xf32>
    %slice3A_29 = vector.extract_strided_slice %get3A_1 {offsets = [5, 0], sizes = [1, 64], strides = [1, 1]} : vector<8x64xf32> to vector<1x64xf32>
    %add3A_30 = vector.broadcast %slice3A_29 : vector<1x64xf32> to vector<512x64xf32>
    %add3A_31 = arith.addf %mul3A_28, %add3A_30 : vector<512x64xf32>
    %max3A_32 = arith.constant 0.000000e+00 : f32
    %max3A_33 = vector.broadcast %max3A_32 : f32 to vector<512x64xf32>
    %max3A_34 = arith.maximumf %add3A_31, %max3A_33 : vector<512x64xf32>
    %swap3A = arith.constant 0 : index
    %swap3A_35 = arith.constant 0 : index
    %swap3A_36 = vector.load %arg5[%swap3A, %swap3A_35] : memref<512x64xf32, #tpu.memory_space<vmem>>, vector<512x64xf32>
    tpu.vector_store %arg5[%swap3A, %swap3A_35], %max3A_34 {strides = array<i32>} : memref<512x64xf32, #tpu.memory_space<vmem>>, vector<512x64xf32>,
    return
  }
  func.func @transform_0(%arg0: i32) -> (i32, i32) {
    %c0_i32 = arith.constant 0 : i32
    %c0_i32_0 = arith.constant 0 : i32
    return %arg0, %c0_i32 : i32, i32
  }
  func.func @transform_1(%arg0: i32) -> (i32, i32) {
    %c0_i32 = arith.constant 0 : i32
    %c0_i32_0 = arith.constant 0 : i32
    %c0_i32_1 = arith.constant 0 : i32
    return %c0_i32, %c0_i32_0 : i32, i32
  }
  func.func @transform_2(%arg0: i32) -> (i32, i32) {
    %c0_i32 = arith.constant 0 : i32
    %c0_i32_0 = arith.constant 0 : i32
    %c0_i32_1 = arith.constant 0 : i32
    return %c0_i32, %c0_i32_0 : i32, i32
  }
  func.func @transform_3(%arg0: i32) -> (i32, i32) {
    %c0_i32 = arith.constant 0 : i32
    %c0_i32_0 = arith.constant 0 : i32
    %c0_i32_1 = arith.constant 0 : i32
    return %c0_i32, %c0_i32_0 : i32, i32
  }
  func.func @transform_4(%arg0: i32) -> (i32, i32) {
    %c0_i32 = arith.constant 0 : i32
    %c0_i32_0 = arith.constant 0 : i32
    return %arg0, %c0_i32 : i32, i32
  }
}

module attributes {stable_mosaic.version = 14 : i64} {
  func.func @_gin_body(%arg0: i32, %arg1: memref<512x64xf32, #tpu.memory_space<vmem>>, %arg2: memref<1x512x64xf32, #tpu.memory_space<vmem>>, %arg3: memref<1x512x64xf32, #tpu.memory_space<vmem>>, %arg4: memref<8x64xf32, #tpu.memory_space<vmem>>, %arg5: memref<64x64xbf16, #tpu.memory_space<vmem>>, %arg6: memref<64x64xbf16, #tpu.memory_space<vmem>>, %arg7: memref<512x64xf32, #tpu.memory_space<vmem>>) attributes {dimension_semantics = [#tpu.dimension_semantics<arbitrary>], iteration_bounds = array<i64: 20>, scalar_prefetch = 0 : i64, scratch_operands = 0 : i64, tpu.core_type = #tpu.core_type<tc>, window_params = [{transform_indices = @transform_0, window_bounds = array<i64: 512, 64>}, {transform_indices = @transform_1, window_bounds = array<i64: 1, 512, 64>}, {transform_indices = @transform_2, window_bounds = array<i64: 1, 512, 64>}, {pipeline_mode = #tpu.pipeline_mode<synchronous>, transform_indices = @transform_3, window_bounds = array<i64: 8, 64>}, {pipeline_mode = #tpu.pipeline_mode<synchronous>, transform_indices = @transform_4, window_bounds = array<i64: 64, 64>}, {pipeline_mode = #tpu.pipeline_mode<synchronous>, transform_indices = @transform_5, window_bounds = array<i64: 64, 64>}, {transform_indices = @transform_6, window_bounds = array<i64: 512, 64>}]} {
    %get3A = arith.constant 0 : index
    %get3A_0 = arith.constant 0 : index
    %get3A_1 = vector.load %arg1[%get3A, %get3A_0] : memref<512x64xf32, #tpu.memory_space<vmem>>, vector<512x64xf32>
    %get3A_2 = arith.constant 0 : index
    %get3A_3 = arith.constant 0 : index
    %get3A_4 = arith.constant 0 : index
    %get3A_5 = vector.load %arg2[%get3A_2, %get3A_3, %get3A_4] : memref<1x512x64xf32, #tpu.memory_space<vmem>>, vector<1x512x64xf32>
    %get3A_6 = vector.shape_cast %get3A_5 : vector<1x512x64xf32> to vector<512x64xf32>
    %get3A_7 = arith.constant 0 : index
    %get3A_8 = arith.constant 0 : index
    %get3A_9 = arith.constant 0 : index
    %get3A_10 = vector.load %arg3[%get3A_7, %get3A_8, %get3A_9] : memref<1x512x64xf32, #tpu.memory_space<vmem>>, vector<1x512x64xf32>
    %get3A_11 = vector.shape_cast %get3A_10 : vector<1x512x64xf32> to vector<512x64xf32>
    %get3A_12 = arith.constant 0 : index
    %get3A_13 = arith.constant 0 : index
    %get3A_14 = vector.load %arg4[%get3A_12, %get3A_13] : memref<8x64xf32, #tpu.memory_space<vmem>>, vector<8x64xf32>
    %get3A_15 = arith.constant 0 : index
    %get3A_16 = arith.constant 0 : index
    %get3A_17 = vector.load %arg5[%get3A_15, %get3A_16] : memref<64x64xbf16, #tpu.memory_space<vmem>>, vector<64x64xbf16>
    %get3A_18 = arith.constant 0 : index
    %get3A_19 = arith.constant 0 : index
    %get3A_20 = vector.load %arg6[%get3A_18, %get3A_19] : memref<64x64xbf16, #tpu.memory_space<vmem>>, vector<64x64xbf16>
    %slice3A = vector.extract_strided_slice %get3A_14 {offsets = [0, 0], sizes = [1, 64], strides = [1, 1]} : vector<8x64xf32> to vector<1x64xf32>
    %mul3A = vector.broadcast %slice3A : vector<1x64xf32> to vector<512x64xf32>
    %mul3A_21 = arith.mulf %mul3A, %get3A_1 : vector<512x64xf32>
    %add3A = arith.addf %mul3A_21, %get3A_6 : vector<512x64xf32>
    %add3A_22 = arith.addf %add3A, %get3A_11 : vector<512x64xf32>
    %slice3A_23 = vector.extract_strided_slice %get3A_14 {offsets = [1, 0], sizes = [1, 64], strides = [1, 1]} : vector<8x64xf32> to vector<1x64xf32>
    %mul3A_24 = vector.broadcast %slice3A_23 : vector<1x64xf32> to vector<512x64xf32>
    %mul3A_25 = arith.mulf %add3A_22, %mul3A_24 : vector<512x64xf32>
    %slice3A_26 = vector.extract_strided_slice %get3A_14 {offsets = [2, 0], sizes = [1, 64], strides = [1, 1]} : vector<8x64xf32> to vector<1x64xf32>
    %add3A_27 = vector.broadcast %slice3A_26 : vector<1x64xf32> to vector<512x64xf32>
    %add3A_28 = arith.addf %mul3A_25, %add3A_27 : vector<512x64xf32>
    %max3A = arith.constant 0.000000e+00 : f32
    %max3A_29 = vector.broadcast %max3A : f32 to vector<512x64xf32>
    %max3A_30 = arith.maximumf %add3A_28, %max3A_29 : vector<512x64xf32>
    %convert_element_type3A = arith.truncf %max3A_30 : vector<512x64xf32> to vector<512x64xbf16>
    %dot_general3A = arith.constant dense<0.000000e+00> : vector<512x64xf32>
    %dot_general3A_31 = tpu.matmul %convert_element_type3A, %get3A_17, %dot_general3A {dimension_numbers = #tpu.dot_dimension_numbers<[1], [0], [0], [1], [0, 0, 1, 1], [], []>, transpose_lhs_hint = false} : vector<512x64xbf16>, vector<64x64xbf16>, vector<512x64xf32> -> vector<512x64xf32>
    %slice3A_32 = vector.extract_strided_slice %get3A_14 {offsets = [3, 0], sizes = [1, 64], strides = [1, 1]} : vector<8x64xf32> to vector<1x64xf32>
    %add3A_33 = vector.broadcast %slice3A_32 : vector<1x64xf32> to vector<512x64xf32>
    %add3A_34 = arith.addf %dot_general3A_31, %add3A_33 : vector<512x64xf32>
    %max3A_35 = arith.constant 0.000000e+00 : f32
    %max3A_36 = vector.broadcast %max3A_35 : f32 to vector<512x64xf32>
    %max3A_37 = arith.maximumf %add3A_34, %max3A_36 : vector<512x64xf32>
    %convert_element_type3A_38 = arith.truncf %max3A_37 : vector<512x64xf32> to vector<512x64xbf16>
    %dot_general3A_39 = arith.constant dense<0.000000e+00> : vector<512x64xf32>
    %dot_general3A_40 = tpu.matmul %convert_element_type3A_38, %get3A_20, %dot_general3A_39 {dimension_numbers = #tpu.dot_dimension_numbers<[1], [0], [0], [1], [0, 0, 1, 1], [], []>, transpose_lhs_hint = false} : vector<512x64xbf16>, vector<64x64xbf16>, vector<512x64xf32> -> vector<512x64xf32>
    %slice3A_41 = vector.extract_strided_slice %get3A_14 {offsets = [4, 0], sizes = [1, 64], strides = [1, 1]} : vector<8x64xf32> to vector<1x64xf32>
    %add3A_42 = vector.broadcast %slice3A_41 : vector<1x64xf32> to vector<512x64xf32>
    %add3A_43 = arith.addf %dot_general3A_40, %add3A_42 : vector<512x64xf32>
    %slice3A_44 = vector.extract_strided_slice %get3A_14 {offsets = [5, 0], sizes = [1, 64], strides = [1, 1]} : vector<8x64xf32> to vector<1x64xf32>
    %mul3A_45 = vector.broadcast %slice3A_44 : vector<1x64xf32> to vector<512x64xf32>
    %mul3A_46 = arith.mulf %add3A_43, %mul3A_45 : vector<512x64xf32>
    %slice3A_47 = vector.extract_strided_slice %get3A_14 {offsets = [6, 0], sizes = [1, 64], strides = [1, 1]} : vector<8x64xf32> to vector<1x64xf32>
    %add3A_48 = vector.broadcast %slice3A_47 : vector<1x64xf32> to vector<512x64xf32>
    %add3A_49 = arith.addf %mul3A_46, %add3A_48 : vector<512x64xf32>
    %max3A_50 = arith.constant 0.000000e+00 : f32
    %max3A_51 = vector.broadcast %max3A_50 : f32 to vector<512x64xf32>
    %max3A_52 = arith.maximumf %add3A_49, %max3A_51 : vector<512x64xf32>
    %swap3A = arith.constant 0 : index
    %swap3A_53 = arith.constant 0 : index
    %swap3A_54 = vector.load %arg7[%swap3A, %swap3A_53] : memref<512x64xf32, #tpu.memory_space<vmem>>, vector<512x64xf32>
    tpu.vector_store %arg7[%swap3A, %swap3A_53], %max3A_52 {strides = array<i32>} : memref<512x64xf32, #tpu.memory_space<vmem>>, vector<512x64xf32>,
    return
  }
  func.func @transform_0(%arg0: i32) -> (i32, i32) {
    %c0_i32 = arith.constant 0 : i32
    %c0_i32_0 = arith.constant 0 : i32
    return %arg0, %c0_i32 : i32, i32
  }
  func.func @transform_1(%arg0: i32) -> (i32, i32, i32) {
    %c0_i32 = arith.constant 0 : i32
    %c0_i32_0 = arith.constant 0 : i32
    %c0_i32_1 = arith.constant 0 : i32
    return %c0_i32, %arg0, %c0_i32_0 : i32, i32, i32
  }
  func.func @transform_2(%arg0: i32) -> (i32, i32, i32) {
    %c1_i32 = arith.constant 1 : i32
    %c0_i32 = arith.constant 0 : i32
    %c0_i32_0 = arith.constant 0 : i32
    return %c1_i32, %arg0, %c0_i32 : i32, i32, i32
  }
  func.func @transform_3(%arg0: i32) -> (i32, i32) {
    %c0_i32 = arith.constant 0 : i32
    %c0_i32_0 = arith.constant 0 : i32
    %c0_i32_1 = arith.constant 0 : i32
    return %c0_i32, %c0_i32_0 : i32, i32
  }
  func.func @transform_4(%arg0: i32) -> (i32, i32) {
    %c0_i32 = arith.constant 0 : i32
    %c0_i32_0 = arith.constant 0 : i32
    %c0_i32_1 = arith.constant 0 : i32
    return %c0_i32, %c0_i32_0 : i32, i32
  }
  func.func @transform_5(%arg0: i32) -> (i32, i32) {
    %c0_i32 = arith.constant 0 : i32
    %c0_i32_0 = arith.constant 0 : i32
    %c0_i32_1 = arith.constant 0 : i32
    return %c0_i32, %c0_i32_0 : i32, i32
  }
  func.func @transform_6(%arg0: i32) -> (i32, i32) {
    %c0_i32 = arith.constant 0 : i32
    %c0_i32_0 = arith.constant 0 : i32
    return %arg0, %c0_i32 : i32, i32
  }
}

</mosaic_0001>

<sc_bundles>
// kernel: kernel.10.cloned.1.call-start
scs
__scs_entry_jumppad:
0x0: {  	(pc) =	sbr.rel $0x88, $3  }
0x1: {  	(tag) =	ssettag $0x0;
	lr =	simm.s32 $0x1  }
0x2: {  	[smem:$0x3F75] =	sst lr;
	_ =	strace $0xD0000000  }
0x3: {  	_ = 	snop  }
0x4: {  	_ = 	snop  }
0x5: {  	_ = 	snop  }
0x6: {  	_ = 	snop  }
0x7: {  	_ = 	snop  }
__scs_overlays_trampoline_lowered:
0x8: {  	[smem:$0x3F84] =	sst s0  }
0x9: {  	[smem:$0x3F85] =	sst s1  }
0xa: {  	[smem:$0x3F86] =	sst s2  }
0xb: {  	[smem:$0x3F87] =	sst s3  }
0xc: {  	[smem:$0x3F88] =	sst s4  }
0xd: {  	[smem:$0x3F89] =	sst s5  }
0xe: {  	[smem:$0x3F8A] =	sst s6  }
0xf: {  	[smem:$0x3F8B] =	sst s7  }
0x10: {  	[smem:$0x3F8C] =	sst s8  }
0x11: {  	[smem:$0x3F8D] =	sst s9;
	s0 =	simm.s32 @!p0 $0x0  }
0x12: {  	s1 =	sld [smem:$0x3F73];
	s0 =	simm.s32 @p0 $0x1  }
0x13: {  	[smem:$0x3F8E] =	sst s0;
	s0 =	simm.s32 @!p1 $0x0  }
0x14: {  	s2 =	sld [smem:$0x3F72];
	s0 =	simm.s32 @p1 $0x1  }
0x15: {  	[smem:$0x3F8F] =	sst s0;
	s0 =	simm.s32 @!p2 $0x0  }
0x16: {  	s3 =	sld [smem:$0x3FDB];
	s0 =	simm.s32 @p2 $0x1  }
0x17: {  	s4 =	simm.s32 $0x1BF5;
	[smem:$0x3F91] =	sst s0  }
0x18: {  	s0 =	sld [smem:$0x3F74];
	_ =	swait.ge [sflag:s4], $0x0  }
0x19: {  	s7 =	sld [smem:$0x3F75]  }
0x1a: {  	s8 =	sadd.s32 $0xFFFFE003, lr  }
0x1b: {  	s9 =	sadd.s32 $0xFFFFFEF7, lr;
	s5 =	simm.s32 $0xFFFFFFFF;
	p2 =	slt.u32 s8, $0xFFFFF086  }
0x1c: {  	p1 =	slt.u32 s9, $0xF7A;
	s5 =	simm.s32 @!p2 $0x0  }
0x1d: {  	s5 =	simm.s32 @p1 $0x1;
	p0 =	seq.s32 s7, s2  }
0x1e: {  	s7 =	smul.u32 @!p0 $0xF7A, s2;
	p2 =	seq.s32 @!p0 s5, $0x0  }
0x1f: {  	s9 =	smul.u32 $0xF7A, s1;
	s8 =	simm.s32 @!p0 $0x1BF5;
	p2 =	por !p2, p0  }
0x20: {  	[sflag:s8] =	ssyncset.s32 @!p0 $0xFFFFF086;
	s6 =	sadd.s32 @!p0 s3, s7;
	s7 =	simm.s32 @!p0 $0x108  }
0x21: {  	s3 =	sadd.s32 s3, s9;
	s6 =	sadd.s32 @!p0 $0x88, s6;
	s7 =	simm.s32 @p2 $0x1082  }
0x22: {  	[simem:s7], [sflag:s8] =	dma.local @!p0 [hbm:s6], $0xF7A  }
0x23: {  	s9 =	sor.u32 $0xD0000000, s2;
	s6 =	simm.s32 $0x108;
	_ =	swait.ge @!p0 [sflag:s8], $0x0  }
0x24: {  	s3 =	sadd.s32 $0x88, s3;
	s6 =	simm.s32 @!p1 $0x1082;
	[sflag:s4] =	ssyncset.s32 $0xFFFFF086  }
0x25: {  	[simem:s6], [sflag:s4] =	dma.local [hbm:s3], $0xF7A  }
0x26: {  	[smem:$0x3F75] =	sst s1;
	(tag) =	ssettag s2;
	_ =	strace s9  }
0x27: {  	s1 =	sld [smem:$0x3F85]  }
0x28: {  	s2 =	sld [smem:$0x3F86]  }
0x29: {  	s4 =	sld [smem:$0x3F88]  }
0x2a: {  	p0 =	seq.s32 s5, $0x0;
	s5 =	sld [smem:$0x3F89]  }
0x2b: {  	s6 =	sld [smem:$0x3F8A]  }
0x2c: {  	s7 =	sld [smem:$0x3F8B]  }
0x2d: {  	s3 =	simm.s32 $0x108;
	s8 =	sld [smem:$0x3F8C]  }
0x2e: {  	s3 =	simm.s32 @!p0 $0x1082;
	s9 =	sld [smem:$0x3F8D]  }
0x2f: {  	lr =	sadd.s32 s0, s3;
	s0 =	sld [smem:$0x3F84]  }
0x30: {  	s3 =	sld [smem:$0x3F87]  }
0x31: {  	[smem:$0x3F90] =	sst s10  }
0x32: {  	s10 =	sld [smem:$0x3F8E];
	_ =	sdelay $0x3  }
0x33: {  	p0 =	seq.s32 s10, $0x1;
	s10 =	sld [smem:$0x3F90];
	_ =	sdelay $0x3  }
0x34: {  	[smem:$0x3F90] =	sst s10  }
0x35: {  	s10 =	sld [smem:$0x3F8F];
	_ =	sdelay $0x3  }
0x36: {  	p1 =	seq.s32 s10, $0x1;
	s10 =	sld [smem:$0x3F90];
	_ =	sdelay $0x3  }
0x37: {  	[smem:$0x3F90] =	sst s10  }
0x38: {  	s10 =	sld [smem:$0x3F91]  }
0x39: {  	_ = 	snop;
	(pc) =	sbr.ind lr, $3  }
0x3a: {  	_ = 	snop  }
0x3b: {  	_ = 	snop  }
0x3c: {  	p2 =	seq.s32 s10, $0x1;
	s10 =	sld [smem:$0x3F90]  }
0x3d: {  	_ =	shalt  }
0x3e: {  	_ =	shalt  }
0x3f: {  	_ =	shalt  }
0x40: {  	_ =	shalt  }
0x41: {  	_ =	shalt  }
0x42: {  	_ =	shalt  }
0x43: {  	_ =	shalt  }
0x44: {  	_ =	shalt  }
0x45: {  	_ =	shalt  }
0x46: {  	_ =	shalt  }
0x47: {  	_ =	shalt  }
0x48: {  	_ =	shalt  }
0x49: {  	_ =	shalt  }
0x4a: {  	_ =	shalt  }
0x4b: {  	_ =	shalt  }
0x4c: {  	_ =	shalt  }
0x4d: {  	_ =	shalt  }
0x4e: {  	_ =	shalt  }
0x4f: {  	_ =	shalt  }
0x50: {  	_ =	shalt  }
0x51: {  	_ =	shalt  }
0x52: {  	_ =	shalt  }
0x53: {  	_ =	shalt  }
0x54: {  	_ =	shalt  }
0x55: {  	_ =	shalt  }
0x56: {  	_ =	shalt  }
0x57: {  	_ =	shalt  }
0x58: {  	_ =	shalt  }
0x59: {  	_ =	shalt  }
0x5a: {  	_ =	shalt  }
0x5b: {  	_ =	shalt  }
0x5c: {  	_ =	shalt  }
0x5d: {  	_ =	shalt  }
0x5e: {  	_ =	shalt  }
0x5f: {  	_ =	shalt  }
0x60: {  	_ =	shalt  }
0x61: {  	_ =	shalt  }
0x62: {  	_ =	shalt  }
0x63: {  	_ =	shalt  }
0x64: {  	_ =	shalt  }
0x65: {  	_ =	shalt  }
0x66: {  	_ =	shalt  }
0x67: {  	_ =	shalt  }
0x68: {  	_ =	shalt  }
0x69: {  	_ =	shalt  }
0x6a: {  	_ =	shalt  }
0x6b: {  	_ =	shalt  }
0x6c: {  	_ =	shalt  }
0x6d: {  	_ =	shalt  }
0x6e: {  	_ =	shalt  }
0x6f: {  	_ =	shalt  }
0x70: {  	_ =	shalt  }
0x71: {  	_ =	shalt  }
0x72: {  	_ =	shalt  }
0x73: {  	_ =	shalt  }
0x74: {  	_ =	shalt  }
0x75: {  	_ =	shalt  }
0x76: {  	_ =	shalt  }
0x77: {  	_ =	shalt  }
0x78: {  	_ =	shalt  }
0x79: {  	_ =	shalt  }
0x7a: {  	_ =	shalt  }
0x7b: {  	_ =	shalt  }
0x7c: {  	_ =	shalt  }
0x7d: {  	_ =	shalt  }
0x7e: {  	_ =	shalt  }
0x7f: {  	_ =	shalt  }
0x80: {  	_ =	shalt  }
0x81: {  	_ =	shalt  }
0x82: {  	_ =	shalt  }
0x83: {  	_ =	shalt  }
0x84: {  	_ =	shalt  }
0x85: {  	_ =	shalt  }
0x86: {  	_ =	shalt  }
0x87: {  	_ =	shalt  }
.Lfunc_end0:
.L_simem_size_0:
called_computation.3_lowered:
.L_overlay_start_0:
0x88: {  	s2 =	sld [smem:$0x3FD9]  }
0x89: {  	s3 =	sld [smem:$0x3FFE];
	_ =	sdelay $0x1  }
0x8a: {  	s1 =	srdreg.scid  }
0x8b: {  	s0 =	sand.u32 $0x1, s1  }
0x8c: {  	s16 =	sshll.u32 s0, $0xA;
	s2 =	sadd.s32 s3, s2  }
0x8d: {  	s2 =	sadd.s32 s2, s16  }
0x8e: {  	[smem:$0x3F9C] =	sst s2  }
0x8f: {  	_ = 	snop  }
0x90: {  	(tm) =	ssettm $0x1  }
0x91: {  	s17 =	sld [smem:$0x3FFB];
	_ =	sdelay $0x3  }
0x92: {  	_ =	strace s17  }
0x93: {  	s2 =	sld [smem:$0x3FFC];
	_ =	sdelay $0x3  }
0x94: {  	_ =	strace s2  }
0x95: {  	s2 =	sld [smem:$0x3FFD];
	_ =	sdelay $0x3  }
0x96: {  	_ =	strace s2  }
0x97: {  	_ =	strace $0x8FFFFFFF  }
0x98: {  	s18 =	sld [smem:$0x3FDB];
	_ =	sdelay $0x1  }
0x99: {  	s19 =	simm.s32 $_scs_section_size  }
0x9a: {  	s4 =	simm.s32 $_size__tile_overlayer_lowered;
	s5 =	simm.s32 $_tile_overlayer_lowered  }
0x9b: {  	s22 =	simm.s32 $0x1BFF;
	s21 =	sshll.u32 s5, $0x1;
	s2 =	sadd.s32 s19, s18  }
0x9c: {  	s6 =	simm.s32 $0x0;
	s20 =	sshll.u32 s4, $0x1;
	s4 =	sadd.s32 s21, s2  }
0x9d: {  	[timem:s6], [sflag:s22] =	dma.local [hbm:s4], s20  }
0x9e: {  	_ =	swait.ge [sflag:s22], s20  }
0x9f: {  	s3 =	ssub.s32 $0x0, s20;
	[sflag:s22] =	ssyncset.done $0x0  }
0xa0: {  	[sflag:s22] =	ssyncadd.s32 s3;
	_ =	sdelay $0x1  }
0xa1: {  	s23 =	simm.s32 $0x1B8B  }
0xa2: {  	_ =	swait.ge [sflag:s23], $0x1  }
0xa3: {  	[sflag:s23] =	ssyncset.done $0x0  }
0xa4: {  	s25 =	simm.s32 $0x1B8E;
	s24 =	sld [smem:$0x3FFE];
	[sflag:s23] =	ssyncadd.s32 $0xFFFFFFFF  }
0xa5: {  	s26 =	simm.s32 $execute0_lowered;
	[smem:$0x3FD2] =	sst s25  }
0xa6: {  	s4 =	sshll.u32 s26, $0x1;
	_ =	strace $0x80000049;
	[dreg:$0x1] =	wrdreg $0xFFFFFFFF  }
0xa7: {  	s28 =	simm.s32 $_size_execute0_lowered;
	s2 =	sadd.s32 s2, s4;
	[dreg:$0x0] =	wrdreg $0x0  }
0xa8: {  	s4 =	sshll.u32 s28, $0x1;
	[dreg:$0x2] =	wrdreg s2  }
0xa9: {  	[dreg:$0x3] =	wrdreg s4  }
0xaa: {  	[dreg:$0x4] =	wrdreg $0xC0  }
0xab: {  	_ =	task [dreg:s6], $0x5FFFF  }
0xac: {  	[dreg:$0x1] =	wrdreg $0xFFFFFFFF  }
0xad: {  	[dreg:$0x0] =	wrdreg $0x60  }
0xae: {  	[dreg:$0x2] =	wrdreg s24  }
0xaf: {  	[dreg:$0x3] =	wrdreg $0x21800  }
0xb0: {  	[dreg:$0x4] =	wrdreg $0x9  }
0xb1: {  	_ =	task.clear_ibuf [dreg:s6], $0x5FFFF;
	_ =	strace $0x90000049  }
0xb2: {  	s29 =	simm.s32 $0x9;
	_ =	strace $0x8000004B  }
0xb3: {  	_ =	swait.ge [sflag:s29], $0x1  }
0xb4: {  	[sflag:s29] =	ssyncadd.s32 $0xFFFFFFFF  }
0xb5: {  	_ =	strace $0x9000004B  }
0xb6: {  	_ =	sfence  }
0xb7: {  	s30 =	sld [smem:$0x0];
	_ =	sdelay $0x2  }
0xb8: {  	s31 =	sshll.u32 s1, $0xD;
	s1 =	sshrl.u32 s1, $0x2  }
0xb9: {  	s3 =	sand.u32 $0x4000, s31;
	s1 =	sadd.s32 s1, s30  }
0xba: {  	s0 =	sor.u32 s3, s0;
	s1 =	sshll.u32 s1, $0x11  }
0xbb: {  	s0 =	sor.u32 s1, s0  }
0xbc: {  	s0 =	sadd.s32 $0x8F2B, s0  }
0xbd: {  	[sflag:s0] =	ssyncadd.remote.s32 $0x1  }
0xbe: {  	_ =	sfence.sel $0xFFFF  }
0xbf: {  	[dreg:$0x0] =	wrdreg $0xFFFFFFFF;
	(pc) =	sbr.abs _section_cstart, $3  }
0xc0: {  	[dreg:$0x1] =	wrdreg $0xFFFFFFFF  }
0xc1: {  	_ =	task.clear_ibuf [dreg:s6], $0x2FFFF;
	_ =	strace $0x9FFFFFFF  }
0xc2: {  	(tm) =	ssettm $0x7FFFFFFF  }
0xc3: {  	_ =	shalt  }
tec
execute0_lowered:
.L_overlay_start_1:
0x0: {  	(tag) =	ssettag $0x1  }
0x1: {  	s1 =	srdreg.scid;
	s5 =	rddreg [dreg:$0x0]  }
0x2: {  	s0 =	stileid.u32;
	s2 =	rddreg [dreg:$0x1]  }
0x3: {  	s3 =	simm.s32 $0x0;
	s13 =	simm.s32 $0x50000;
	s14 =	simm.s32 $0x1  }
0x4: {  	s15 =	simm.s32 $0x180;
	s16 =	simm.s32 $0x2;
	s4 =	smul.u32 $0x5000, s0  }
0x5: {  	s6 =	sand.u32 $0x1, s1;
	s1 =	rddreg [dreg:$0x2];
	s8 =	smul.u32 $0xA000, s0  }
0x6: {  	s17 =	simm.s32 $0x0;
	[smem:$0x7FF] =	sst s3;
	s7 =	smul.u32 $0x2800, s6  }
0x7: {  	s31 =	sshll.u32 s0, $0x6;
	s9 =	smul.u32 $0xA0000, s6;
	s6 =	ssub.s32 $0x2, s6  }
0x8: {  	_ =	strace $0x8000004A;
	s30 =	sshrl.u32 s8, $0x3;
	s11 =	sshrl.u32 s6, $0x1  }
0x9: {  	s12 =	sadd.s32 s8, s2;
	s7 =	sadd.s32 s7, s4;
	s4 =	sadd.s32 $0x20000, s5  }
0xa: {  	s29 =	sadd.s32 s8, s9;
	s9 =	sadd.s32 s30, s5;
	s11 =	ssub.s32 s6, s11  }
0xb: {  	s6 =	sor.u32 $0x1C03, s31;
	s7 =	sshrl.u32 s7, $0x3;
	s8 =	smax.u32 s11, $0x1  }
0xc: {  	s11 =	simm.s32 $0x3;
	s10 =	sadd.s32 s7, s5;
	s7 =	sshrl.u32 s29, $0x3  }
0xd: {  	v0 =	vlaneseq.u32;
	s7 =	sadd.s32 s7, s5;
	s5 =	sadd.s32 $0x34000, s9;
	s9 =	sadd.s32 $0x2000, s10  }
0xe: {  	v0 =	vor.u32 $0x2710, v0;
	s10 =	sshrl.u32 s12, $0x3;
	s12 =	simm.s32 $0x80;
	s7 =	sadd.s32 $0x48000, s7  }
.LBB2_1:
0xf: {  	[spmem:s10], [sflag:s6] =	dma.local [hbm:s5], $0x1400  }
0x10: {  	_ =	swait.ge [sflag:s11], $0x1400  }
0x11: {  	[sflag:s11] =	ssyncset.done $0x0  }
0x12: {  	[sflag:s11] =	ssyncadd.s32 $0xFFFFEC00  }
0x13: {  	s18 =	sadd.s32 $0x0, s9;
	[bflag:$0x0] =	sbarrier.arrive $0xFFFF  }
0x14: {  	[tilespmem:s3], [sflag:$0x1] =	stream.strided.gather [hbm4b:s18+s12], $0x180, s13, s12, $0x38;
	[tilespmem:$0xC180] =	vst v63  }
0x15: {  	_ =	swait.ge [sflag:s14], $0x180  }
0x16: {  	[sflag:s14] =	ssyncset.done $0x0  }
0x17: {  	[sflag:s14] =	ssyncadd.s32 $0xFFFFFE80  }
0x18: {  	[tilespmem:s15], [sflag:$0x2] =	stream.indirect.gather [hbm4b:s4+s12], $0x40, s3, s12, $0xb8;
	[tilespmem:$0xC180] =	vst v63  }
0x19: {  	_ =	swait.ge [sflag:s16], $0x2000  }
0x1a: {  	[sflag:s16] =	ssyncset.done $0x0  }
0x1b: {  	s18 =	simm.s32 $0x10;
	[sflag:s16] =	ssyncadd.s32 $0xFFFFE000  }
.LBB2_2:
0x1c: {  	p0 =	sne.s32 s18, $0x4F0;
	v1 =	vld [tilespmem:$0xE0];
	s19 =	smov.u32 s18;
	s18 =	sadd.s32 $0x10, s18  }
0x1d: {  	v2 =	vld [tilespmem:$0xD0]  }
0x1e: {  	v3 =	vld [tilespmem:$0xA0]  }
0x1f: {  	v4 =	vld [tilespmem:$0xC0]  }
0x20: {  	v5 =	vld [tilespmem:$0x150]  }
0x21: {  	v6 =	vld [tilespmem:$0x90]  }
0x22: {  	v7 =	vld [tilespmem:$0xF0]  }
0x23: {  	v8 =	vld [tilespmem:$0x120]  }
0x24: {  	v9 =	vld [tilespmem:$0xB0]  }
0x25: {  	v10 =	vld [tilespmem:$0x140]  }
0x26: {  	vm0 =	veq.s32 v5, $0x2;
	v5 =	vld [tilespmem:$0x170]  }
0x27: {  	v2 =	vsel vm0, v2, v0;
	v11 =	vld [tilespmem:$0x130]  }
0x28: {  	vm0 =	veq.s32 v8, $0x2;
	[tilespmem:$0xD0] =	vst v2;
	v2 =	vld [tilespmem:$0x160]  }
0x29: {  	v8 =	vld [tilespmem:$0x110];
	v3 =	vsel vm0, v3, v0  }
0x2a: {  	v12 =	vld [tilespmem:$0x100];
	[tilespmem:$0xA0] =	vst v3;
	vm0 =	veq.s32 v10, $0x2  }
0x2b: {  	v3 =	vld [tilespmem:$0x80];
	v4 =	vsel vm0, v4, v0;
	vm0 =	veq.s32 v5, $0x2  }
0x2c: {  	vm1 =	veq.s32 v11, $0x2;
	[tilespmem:$0xC0] =	vst v4;
	v4 =	vsel vm0, v7, v0  }
0x2d: {  	v5 =	vsel vm1, v9, v0;
	vm0 =	veq.s32 v2, $0x2;
	[tilespmem:$0xF0] =	vst v4  }
0x2e: {  	vm1 =	veq.s32 v8, $0x2;
	[tilespmem:$0xB0] =	vst v5;
	v1 =	vsel vm0, v1, v0  }
0x2f: {  	vm0 =	veq.s32 v12, $0x2;
	v2 =	vsel vm1, v6, v0;
	[tilespmem:$0xE0] =	vst v1  }
0x30: {  	v1 =	vsel vm0, v3, v0;
	[tilespmem:$0x90] =	vst v2  }
0x31: {  	[tilespmem:$0x80] =	vst v1  }
0x32: {  	[spmem:s2] =	stream.indirect.scatter.add.f32 [tilespmem:s15], [sflag:$0x3], $0x40, s12, s12, $0xb8;
	[tilespmem:$0xC180] =	vst v63  }
0x33: {  	_ =	swait.ge [sflag:s11], $0x2000  }
0x34: {  	[sflag:s11] =	ssyncset.done $0x0  }
0x35: {  	s19 =	sadd.s32 s19, s9;
	[sflag:s11] =	ssyncadd.s32 $0xFFFFE000  }
0x36: {  	[tilespmem:s3], [sflag:$0x1] =	stream.strided.gather [hbm4b:s19+s12], $0x180, s13, s12, $0x38;
	[tilespmem:$0xC180] =	vst v63  }
0x37: {  	_ =	swait.ge [sflag:s14], $0x180  }
0x38: {  	[sflag:s14] =	ssyncset.done $0x0  }
.Ltmp0:
0x39: {  	[sflag:s14] =	ssyncadd.s32 $0xFFFFFE80;
	(pc) =	sbr.rel @p0 .LBB2_2-.Ltmp0, $4  }
0x3a: {  	[tilespmem:s15], [sflag:$0x2] =	stream.indirect.gather [hbm4b:s4+s12], $0x40, s3, s12, $0xb8;
	[tilespmem:$0xC180] =	vst v63  }
0x3b: {  	_ =	swait.ge [sflag:s16], $0x2000  }
0x3c: {  	[sflag:s16] =	ssyncset.done $0x0  }
0x3d: {  	[sflag:s16] =	ssyncadd.s32 $0xFFFFE000  }
0x3e: {  	v1 =	vld [tilespmem:$0xE0]  }
0x3f: {  	v2 =	vld [tilespmem:$0xD0]  }
0x40: {  	v3 =	vld [tilespmem:$0xA0]  }
0x41: {  	v4 =	vld [tilespmem:$0xC0]  }
0x42: {  	v5 =	vld [tilespmem:$0x150]  }
0x43: {  	v6 =	vld [tilespmem:$0x90]  }
0x44: {  	v7 =	vld [tilespmem:$0xF0]  }
0x45: {  	v8 =	vld [tilespmem:$0x120]  }
0x46: {  	v9 =	vld [tilespmem:$0xB0]  }
0x47: {  	v10 =	vld [tilespmem:$0x140]  }
0x48: {  	v11 =	vld [tilespmem:$0x170]  }
0x49: {  	v12 =	vld [tilespmem:$0x130]  }
0x4a: {  	v60 =	vld [tilespmem:$0x160];
	vm0 =	veq.s32 v5, $0x2  }
0x4b: {  	v61 =	vld [tilespmem:$0x110];
	vm10 =	veq.s32 v8, $0x2;
	v2 =	vsel vm0, v2, v0  }
0x4c: {  	vm11 =	veq.s32 v10, $0x2;
	[tilespmem:$0xD0] =	vst v2;
	v2 =	vsel vm10, v3, v0;
	v3 =	vld [tilespmem:$0x100]  }
0x4d: {  	vm12 =	veq.s32 v11, $0x2;
	v4 =	vsel vm11, v4, v0;
	[tilespmem:$0xA0] =	vst v2;
	v2 =	vld [tilespmem:$0x80]  }
0x4e: {  	vm1 =	veq.s32 v12, $0x2;
	v62 =	vsel vm12, v7, v0;
	[tilespmem:$0xC0] =	vst v4  }
0x4f: {  	vm13 =	veq.s32 v60, $0x2;
	v63 =	vsel vm1, v9, v0;
	[tilespmem:$0xF0] =	vst v62  }
0x50: {  	vm14 =	veq.s32 v61, $0x2;
	v1 =	vsel vm13, v1, v0;
	[tilespmem:$0xB0] =	vst v63  }
0x51: {  	[tilespmem:$0xE0] =	vst v1;
	vm15 =	veq.s32 v3, $0x2;
	v3 =	vsel vm14, v6, v0  }
0x52: {  	v1 =	vsel vm15, v2, v0;
	[tilespmem:$0x90] =	vst v3  }
0x53: {  	[tilespmem:$0x80] =	vst v1  }
0x54: {  	[spmem:s2] =	stream.indirect.scatter.add.f32 [tilespmem:s15], [sflag:$0x3], $0x40, s12, s12, $0xb8;
	[tilespmem:$0xC180] =	vst v63  }
0x55: {  	_ =	swait.ge [sflag:s11], $0x2000  }
0x56: {  	s17 =	sadd.s32 $0x1, s17;
	[sflag:s11] =	ssyncset.done $0x0  }
0x57: {  	p0 =	sne.s32 s17, s8;
	[sflag:s11] =	ssyncadd.s32 $0xFFFFE000  }
.Ltmp1:
0x58: {  	[bflag:$0x0] =	sbarrier.arrive $0xFFFF;
	(pc) =	sbr.rel @p0 .LBB2_1-.Ltmp1, $4  }
0x59: {  	[hbm:s7], [sflag:s6] =	dma.local [spmem:s10], $0x1400  }
0x5a: {  	_ =	swait.ge [sflag:s11], $0x1400  }
0x5b: {  	[sflag:s11] =	ssyncset.done $0x0  }
0x5c: {  	[sflag:s11] =	ssyncadd.s32 $0xFFFFEC00  }
0x5d: {  	_ =	sfence.sel $0x180000  }
0x5e: {  	[bflag:$0x0] =	sbarrier.arrive $0xFFFF  }
0x5f: {  	p0 =	sne.s32 s0, $0x0;
	_ =	strace $0x9000004A  }
0x60: {  	s0 =	sadd.s32 @!p0 $0x100000, s1;
	[bflag:$0x2] =	sbarrier.arrive $0xFFFF  }
0x61: {  	[sflag:s0] =	ssyncadd.tile.s32 @!p0 $0x1;
	_ =	shalt  }
.Lfunc_end2:
_tile_overlayer_lowered:
.L_overlay_start_2:
0x62: {  	(tag) =	ssettag $0x2  }
0x63: {  	s0 =	rddreg [dreg:$0x0];
	s2 =	stileid.u32  }
0x64: {  	s1 =	rddreg [dreg:$0x1];
	p0 =	sne.s32 s2, $0x0  }
0x65: {  	s3 =	rddreg [dreg:$0x2];
	[bflag:$0x3] =	sbarrier.arrive $0xFFFF;
	s2 =	simm.s32 @!p0 $0x1C03  }
0x66: {  	[timem:s3], [sflag:s2] =	dma.local @!p0 [hbm:s0], s1  }
0x67: {  	s0 =	simm.s32 @!p0 $0x3  }
0x68: {  	_ =	swait.ge @!p0 [sflag:s0], s1  }
0x69: {  	s1 =	ssub.s32 @!p0 $0x0, s1;
	[sflag:s0] =	ssyncset.done @!p0 $0x0  }
0x6a: {  	[sflag:s0] =	ssyncadd.s32 @!p0 s1  }
0x6b: {  	[bflag:$0x3] =	sbarrier.arrive $0xFFFF  }
0x6c: {  	_ =	shalt  }

// kernel: kernel.7.cloned.1.call-start
scs
__scs_entry_jumppad:
0x0: {  	(pc) =	sbr.rel $0x88, $3  }
0x1: {  	(tag) =	ssettag $0x0;
	lr =	simm.s32 $0x1  }
0x2: {  	[smem:$0x3F75] =	sst lr;
	_ =	strace $0xD0000000  }
0x3: {  	_ = 	snop  }
0x4: {  	_ = 	snop  }
0x5: {  	_ = 	snop  }
0x6: {  	_ = 	snop  }
0x7: {  	_ = 	snop  }
__scs_overlays_trampoline_lowered:
0x8: {  	[smem:$0x3F84] =	sst s0  }
0x9: {  	[smem:$0x3F85] =	sst s1  }
0xa: {  	[smem:$0x3F86] =	sst s2  }
0xb: {  	[smem:$0x3F87] =	sst s3  }
0xc: {  	[smem:$0x3F88] =	sst s4  }
0xd: {  	[smem:$0x3F89] =	sst s5  }
0xe: {  	[smem:$0x3F8A] =	sst s6  }
0xf: {  	[smem:$0x3F8B] =	sst s7  }
0x10: {  	[smem:$0x3F8C] =	sst s8  }
0x11: {  	[smem:$0x3F8D] =	sst s9;
	s0 =	simm.s32 @!p0 $0x0  }
0x12: {  	s1 =	sld [smem:$0x3F73];
	s0 =	simm.s32 @p0 $0x1  }
0x13: {  	[smem:$0x3F8E] =	sst s0;
	s0 =	simm.s32 @!p1 $0x0  }
0x14: {  	s2 =	sld [smem:$0x3F72];
	s0 =	simm.s32 @p1 $0x1  }
0x15: {  	[smem:$0x3F8F] =	sst s0;
	s0 =	simm.s32 @!p2 $0x0  }
0x16: {  	s3 =	sld [smem:$0x3FDB];
	s0 =	simm.s32 @p2 $0x1  }
0x17: {  	s4 =	simm.s32 $0x1BF5;
	[smem:$0x3F91] =	sst s0  }
0x18: {  	s0 =	sld [smem:$0x3F74];
	_ =	swait.ge [sflag:s4], $0x0  }
0x19: {  	s7 =	sld [smem:$0x3F75]  }
0x1a: {  	s8 =	sadd.s32 $0xFFFFE003, lr  }
0x1b: {  	s9 =	sadd.s32 $0xFFFFFEF7, lr;
	s5 =	simm.s32 $0xFFFFFFFF;
	p2 =	slt.u32 s8, $0xFFFFF086  }
0x1c: {  	p1 =	slt.u32 s9, $0xF7A;
	s5 =	simm.s32 @!p2 $0x0  }
0x1d: {  	s5 =	simm.s32 @p1 $0x1;
	p0 =	seq.s32 s7, s2  }
0x1e: {  	s7 =	smul.u32 @!p0 $0xF7A, s2;
	p2 =	seq.s32 @!p0 s5, $0x0  }
0x1f: {  	s9 =	smul.u32 $0xF7A, s1;
	s8 =	simm.s32 @!p0 $0x1BF5;
	p2 =	por !p2, p0  }
0x20: {  	[sflag:s8] =	ssyncset.s32 @!p0 $0xFFFFF086;
	s6 =	sadd.s32 @!p0 s3, s7;
	s7 =	simm.s32 @!p0 $0x108  }
0x21: {  	s3 =	sadd.s32 s3, s9;
	s6 =	sadd.s32 @!p0 $0x88, s6;
	s7 =	simm.s32 @p2 $0x1082  }
0x22: {  	[simem:s7], [sflag:s8] =	dma.local @!p0 [hbm:s6], $0xF7A  }
0x23: {  	s9 =	sor.u32 $0xD0000000, s2;
	s6 =	simm.s32 $0x108;
	_ =	swait.ge @!p0 [sflag:s8], $0x0  }
0x24: {  	s3 =	sadd.s32 $0x88, s3;
	s6 =	simm.s32 @!p1 $0x1082;
	[sflag:s4] =	ssyncset.s32 $0xFFFFF086  }
0x25: {  	[simem:s6], [sflag:s4] =	dma.local [hbm:s3], $0xF7A  }
0x26: {  	[smem:$0x3F75] =	sst s1;
	(tag) =	ssettag s2;
	_ =	strace s9  }
0x27: {  	s1 =	sld [smem:$0x3F85]  }
0x28: {  	s2 =	sld [smem:$0x3F86]  }
0x29: {  	s4 =	sld [smem:$0x3F88]  }
0x2a: {  	p0 =	seq.s32 s5, $0x0;
	s5 =	sld [smem:$0x3F89]  }
0x2b: {  	s6 =	sld [smem:$0x3F8A]  }
0x2c: {  	s7 =	sld [smem:$0x3F8B]  }
0x2d: {  	s3 =	simm.s32 $0x108;
	s8 =	sld [smem:$0x3F8C]  }
0x2e: {  	s3 =	simm.s32 @!p0 $0x1082;
	s9 =	sld [smem:$0x3F8D]  }
0x2f: {  	lr =	sadd.s32 s0, s3;
	s0 =	sld [smem:$0x3F84]  }
0x30: {  	s3 =	sld [smem:$0x3F87]  }
0x31: {  	[smem:$0x3F90] =	sst s10  }
0x32: {  	s10 =	sld [smem:$0x3F8E];
	_ =	sdelay $0x3  }
0x33: {  	p0 =	seq.s32 s10, $0x1;
	s10 =	sld [smem:$0x3F90];
	_ =	sdelay $0x3  }
0x34: {  	[smem:$0x3F90] =	sst s10  }
0x35: {  	s10 =	sld [smem:$0x3F8F];
	_ =	sdelay $0x3  }
0x36: {  	p1 =	seq.s32 s10, $0x1;
	s10 =	sld [smem:$0x3F90];
	_ =	sdelay $0x3  }
0x37: {  	[smem:$0x3F90] =	sst s10  }
0x38: {  	s10 =	sld [smem:$0x3F91]  }
0x39: {  	_ = 	snop;
	(pc) =	sbr.ind lr, $3  }
0x3a: {  	_ = 	snop  }
0x3b: {  	_ = 	snop  }
0x3c: {  	p2 =	seq.s32 s10, $0x1;
	s10 =	sld [smem:$0x3F90]  }
0x3d: {  	_ =	shalt  }
0x3e: {  	_ =	shalt  }
0x3f: {  	_ =	shalt  }
0x40: {  	_ =	shalt  }
0x41: {  	_ =	shalt  }
0x42: {  	_ =	shalt  }
0x43: {  	_ =	shalt  }
0x44: {  	_ =	shalt  }
0x45: {  	_ =	shalt  }
0x46: {  	_ =	shalt  }
0x47: {  	_ =	shalt  }
0x48: {  	_ =	shalt  }
0x49: {  	_ =	shalt  }
0x4a: {  	_ =	shalt  }
0x4b: {  	_ =	shalt  }
0x4c: {  	_ =	shalt  }
0x4d: {  	_ =	shalt  }
0x4e: {  	_ =	shalt  }
0x4f: {  	_ =	shalt  }
0x50: {  	_ =	shalt  }
0x51: {  	_ =	shalt  }
0x52: {  	_ =	shalt  }
0x53: {  	_ =	shalt  }
0x54: {  	_ =	shalt  }
0x55: {  	_ =	shalt  }
0x56: {  	_ =	shalt  }
0x57: {  	_ =	shalt  }
0x58: {  	_ =	shalt  }
0x59: {  	_ =	shalt  }
0x5a: {  	_ =	shalt  }
0x5b: {  	_ =	shalt  }
0x5c: {  	_ =	shalt  }
0x5d: {  	_ =	shalt  }
0x5e: {  	_ =	shalt  }
0x5f: {  	_ =	shalt  }
0x60: {  	_ =	shalt  }
0x61: {  	_ =	shalt  }
0x62: {  	_ =	shalt  }
0x63: {  	_ =	shalt  }
0x64: {  	_ =	shalt  }
0x65: {  	_ =	shalt  }
0x66: {  	_ =	shalt  }
0x67: {  	_ =	shalt  }
0x68: {  	_ =	shalt  }
0x69: {  	_ =	shalt  }
0x6a: {  	_ =	shalt  }
0x6b: {  	_ =	shalt  }
0x6c: {  	_ =	shalt  }
0x6d: {  	_ =	shalt  }
0x6e: {  	_ =	shalt  }
0x6f: {  	_ =	shalt  }
0x70: {  	_ =	shalt  }
0x71: {  	_ =	shalt  }
0x72: {  	_ =	shalt  }
0x73: {  	_ =	shalt  }
0x74: {  	_ =	shalt  }
0x75: {  	_ =	shalt  }
0x76: {  	_ =	shalt  }
0x77: {  	_ =	shalt  }
0x78: {  	_ =	shalt  }
0x79: {  	_ =	shalt  }
0x7a: {  	_ =	shalt  }
0x7b: {  	_ =	shalt  }
0x7c: {  	_ =	shalt  }
0x7d: {  	_ =	shalt  }
0x7e: {  	_ =	shalt  }
0x7f: {  	_ =	shalt  }
0x80: {  	_ =	shalt  }
0x81: {  	_ =	shalt  }
0x82: {  	_ =	shalt  }
0x83: {  	_ =	shalt  }
0x84: {  	_ =	shalt  }
0x85: {  	_ =	shalt  }
0x86: {  	_ =	shalt  }
0x87: {  	_ =	shalt  }
.Lfunc_end0:
.L_simem_size_0:
called_computation.2_lowered:
.L_overlay_start_0:
0x88: {  	s2 =	sld [smem:$0x3FD9]  }
0x89: {  	s3 =	sld [smem:$0x3FFE];
	_ =	sdelay $0x1  }
0x8a: {  	s1 =	srdreg.scid  }
0x8b: {  	s0 =	sand.u32 $0x1, s1  }
0x8c: {  	s16 =	sshll.u32 s0, $0xA;
	s2 =	sadd.s32 s3, s2  }
0x8d: {  	s2 =	sadd.s32 s2, s16  }
0x8e: {  	[smem:$0x3F9C] =	sst s2  }
0x8f: {  	_ = 	snop  }
0x90: {  	(tm) =	ssettm $0x1  }
0x91: {  	s17 =	sld [smem:$0x3FFB];
	_ =	sdelay $0x3  }
0x92: {  	_ =	strace s17  }
0x93: {  	s2 =	sld [smem:$0x3FFC];
	_ =	sdelay $0x3  }
0x94: {  	_ =	strace s2  }
0x95: {  	s2 =	sld [smem:$0x3FFD];
	_ =	sdelay $0x3  }
0x96: {  	_ =	strace s2  }
0x97: {  	_ =	strace $0x8FFFFFFF  }
0x98: {  	s18 =	sld [smem:$0x3FDB];
	_ =	sdelay $0x1  }
0x99: {  	s19 =	simm.s32 $_scs_section_size  }
0x9a: {  	s4 =	simm.s32 $_size__tile_overlayer_lowered;
	s5 =	simm.s32 $_tile_overlayer_lowered  }
0x9b: {  	s22 =	simm.s32 $0x1BFF;
	s21 =	sshll.u32 s5, $0x1;
	s2 =	sadd.s32 s19, s18  }
0x9c: {  	s6 =	simm.s32 $0x0;
	s20 =	sshll.u32 s4, $0x1;
	s4 =	sadd.s32 s21, s2  }
0x9d: {  	[timem:s6], [sflag:s22] =	dma.local [hbm:s4], s20  }
0x9e: {  	_ =	swait.ge [sflag:s22], s20  }
0x9f: {  	s3 =	ssub.s32 $0x0, s20;
	[sflag:s22] =	ssyncset.done $0x0  }
0xa0: {  	[sflag:s22] =	ssyncadd.s32 s3;
	_ =	sdelay $0x1  }
0xa1: {  	s23 =	simm.s32 $0x1B8B  }
0xa2: {  	_ =	swait.ge [sflag:s23], $0x1  }
0xa3: {  	[sflag:s23] =	ssyncset.done $0x0  }
0xa4: {  	s25 =	simm.s32 $0x1B8E;
	s24 =	sld [smem:$0x3FFE];
	[sflag:s23] =	ssyncadd.s32 $0xFFFFFFFF  }
0xa5: {  	s26 =	simm.s32 $execute0_lowered;
	[smem:$0x3FD2] =	sst s25  }
0xa6: {  	s4 =	sshll.u32 s26, $0x1;
	_ =	strace $0x80000046;
	[dreg:$0x1] =	wrdreg $0xFFFFFFFF  }
0xa7: {  	s28 =	simm.s32 $_size_execute0_lowered;
	s2 =	sadd.s32 s2, s4;
	[dreg:$0x0] =	wrdreg $0x0  }
0xa8: {  	s4 =	sshll.u32 s28, $0x1;
	[dreg:$0x2] =	wrdreg s2  }
0xa9: {  	[dreg:$0x3] =	wrdreg s4  }
0xaa: {  	[dreg:$0x4] =	wrdreg $0xC0  }
0xab: {  	_ =	task [dreg:s6], $0x5FFFF  }
0xac: {  	[dreg:$0x1] =	wrdreg $0xFFFFFFFF  }
0xad: {  	[dreg:$0x0] =	wrdreg $0x60  }
0xae: {  	[dreg:$0x2] =	wrdreg s24  }
0xaf: {  	[dreg:$0x3] =	wrdreg $0x21800  }
0xb0: {  	[dreg:$0x4] =	wrdreg $0x9  }
0xb1: {  	_ =	task.clear_ibuf [dreg:s6], $0x5FFFF;
	_ =	strace $0x90000046  }
0xb2: {  	s29 =	simm.s32 $0x9;
	_ =	strace $0x80000048  }
0xb3: {  	_ =	swait.ge [sflag:s29], $0x1  }
0xb4: {  	[sflag:s29] =	ssyncadd.s32 $0xFFFFFFFF  }
0xb5: {  	_ =	strace $0x90000048  }
0xb6: {  	_ =	sfence  }
0xb7: {  	s30 =	sld [smem:$0x0];
	_ =	sdelay $0x2  }
0xb8: {  	s31 =	sshll.u32 s1, $0xD;
	s1 =	sshrl.u32 s1, $0x2  }
0xb9: {  	s3 =	sand.u32 $0x4000, s31;
	s1 =	sadd.s32 s1, s30  }
0xba: {  	s0 =	sor.u32 s3, s0;
	s1 =	sshll.u32 s1, $0x11  }
0xbb: {  	s0 =	sor.u32 s1, s0  }
0xbc: {  	s0 =	sadd.s32 $0x8F2B, s0  }
0xbd: {  	[sflag:s0] =	ssyncadd.remote.s32 $0x1  }
0xbe: {  	_ =	sfence.sel $0xFFFF  }
0xbf: {  	[dreg:$0x0] =	wrdreg $0xFFFFFFFF;
	(pc) =	sbr.abs _section_cstart, $3  }
0xc0: {  	[dreg:$0x1] =	wrdreg $0xFFFFFFFF  }
0xc1: {  	_ =	task.clear_ibuf [dreg:s6], $0x2FFFF;
	_ =	strace $0x9FFFFFFF  }
0xc2: {  	(tm) =	ssettm $0x7FFFFFFF  }
0xc3: {  	_ =	shalt  }
tec
execute0_lowered:
.L_overlay_start_1:
0x0: {  	(tag) =	ssettag $0x1  }
0x1: {  	s1 =	srdreg.scid;
	s5 =	rddreg [dreg:$0x0]  }
0x2: {  	s0 =	stileid.u32;
	s2 =	rddreg [dreg:$0x1]  }
0x3: {  	s3 =	simm.s32 $0x0;
	s13 =	simm.s32 $0x50000;
	s14 =	simm.s32 $0x1  }
0x4: {  	s15 =	simm.s32 $0x180;
	s16 =	simm.s32 $0x2;
	s4 =	smul.u32 $0x5000, s0  }
0x5: {  	s6 =	sand.u32 $0x1, s1;
	s1 =	rddreg [dreg:$0x2];
	s8 =	smul.u32 $0xA000, s0  }
0x6: {  	s17 =	simm.s32 $0x0;
	[smem:$0x7FF] =	sst s3;
	s7 =	smul.u32 $0x2800, s6  }
0x7: {  	s31 =	sshll.u32 s0, $0x6;
	s9 =	smul.u32 $0xA0000, s6;
	s6 =	ssub.s32 $0x2, s6  }
0x8: {  	_ =	strace $0x80000047;
	s30 =	sshrl.u32 s8, $0x3;
	s11 =	sshrl.u32 s6, $0x1  }
0x9: {  	s12 =	sadd.s32 s8, s2;
	s7 =	sadd.s32 s7, s4;
	s4 =	sadd.s32 $0x20000, s5  }
0xa: {  	s29 =	sadd.s32 s8, s9;
	s9 =	sadd.s32 s30, s5;
	s11 =	ssub.s32 s6, s11  }
0xb: {  	s6 =	sor.u32 $0x1C03, s31;
	s7 =	sshrl.u32 s7, $0x3;
	s8 =	smax.u32 s11, $0x1  }
0xc: {  	s11 =	simm.s32 $0x3;
	s10 =	sadd.s32 s7, s5;
	s7 =	sshrl.u32 s29, $0x3  }
0xd: {  	v0 =	vlaneseq.u32;
	s7 =	sadd.s32 s7, s5;
	s5 =	sadd.s32 $0x34000, s9;
	s9 =	sadd.s32 $0x2000, s10  }
0xe: {  	v0 =	vor.u32 $0x2710, v0;
	s10 =	sshrl.u32 s12, $0x3;
	s12 =	simm.s32 $0x80;
	s7 =	sadd.s32 $0x48000, s7  }
.LBB2_1:
0xf: {  	[spmem:s10], [sflag:s6] =	dma.local [hbm:s5], $0x1400  }
0x10: {  	_ =	swait.ge [sflag:s11], $0x1400  }
0x11: {  	[sflag:s11] =	ssyncset.done $0x0  }
0x12: {  	[sflag:s11] =	ssyncadd.s32 $0xFFFFEC00  }
0x13: {  	s18 =	sadd.s32 $0x0, s9;
	[bflag:$0x0] =	sbarrier.arrive $0xFFFF  }
0x14: {  	[tilespmem:s3], [sflag:$0x1] =	stream.strided.gather [hbm4b:s18+s12], $0x180, s13, s12, $0x38;
	[tilespmem:$0xC180] =	vst v63  }
0x15: {  	_ =	swait.ge [sflag:s14], $0x180  }
0x16: {  	[sflag:s14] =	ssyncset.done $0x0  }
0x17: {  	[sflag:s14] =	ssyncadd.s32 $0xFFFFFE80  }
0x18: {  	[tilespmem:s15], [sflag:$0x2] =	stream.indirect.gather [hbm4b:s4+s12], $0x40, s3, s12, $0xb8;
	[tilespmem:$0xC180] =	vst v63  }
0x19: {  	_ =	swait.ge [sflag:s16], $0x2000  }
0x1a: {  	[sflag:s16] =	ssyncset.done $0x0  }
0x1b: {  	s18 =	simm.s32 $0x10;
	[sflag:s16] =	ssyncadd.s32 $0xFFFFE000  }
.LBB2_2:
0x1c: {  	p0 =	sne.s32 s18, $0x4F0;
	v1 =	vld [tilespmem:$0xE0];
	s19 =	smov.u32 s18;
	s18 =	sadd.s32 $0x10, s18  }
0x1d: {  	v2 =	vld [tilespmem:$0xD0]  }
0x1e: {  	v3 =	vld [tilespmem:$0xA0]  }
0x1f: {  	v4 =	vld [tilespmem:$0xC0]  }
0x20: {  	v5 =	vld [tilespmem:$0x150]  }
0x21: {  	v6 =	vld [tilespmem:$0x90]  }
0x22: {  	v7 =	vld [tilespmem:$0xF0]  }
0x23: {  	v8 =	vld [tilespmem:$0x120]  }
0x24: {  	v9 =	vld [tilespmem:$0xB0]  }
0x25: {  	v10 =	vld [tilespmem:$0x140]  }
0x26: {  	vm0 =	veq.s32 v5, $0x1;
	v5 =	vld [tilespmem:$0x170]  }
0x27: {  	v2 =	vsel vm0, v2, v0;
	v11 =	vld [tilespmem:$0x130]  }
0x28: {  	vm0 =	veq.s32 v8, $0x1;
	[tilespmem:$0xD0] =	vst v2;
	v2 =	vld [tilespmem:$0x160]  }
0x29: {  	v8 =	vld [tilespmem:$0x110];
	v3 =	vsel vm0, v3, v0  }
0x2a: {  	v12 =	vld [tilespmem:$0x100];
	[tilespmem:$0xA0] =	vst v3;
	vm0 =	veq.s32 v10, $0x1  }
0x2b: {  	v3 =	vld [tilespmem:$0x80];
	v4 =	vsel vm0, v4, v0;
	vm0 =	veq.s32 v5, $0x1  }
0x2c: {  	vm1 =	veq.s32 v11, $0x1;
	[tilespmem:$0xC0] =	vst v4;
	v4 =	vsel vm0, v7, v0  }
0x2d: {  	v5 =	vsel vm1, v9, v0;
	vm0 =	veq.s32 v2, $0x1;
	[tilespmem:$0xF0] =	vst v4  }
0x2e: {  	vm1 =	veq.s32 v8, $0x1;
	[tilespmem:$0xB0] =	vst v5;
	v1 =	vsel vm0, v1, v0  }
0x2f: {  	vm0 =	veq.s32 v12, $0x1;
	v2 =	vsel vm1, v6, v0;
	[tilespmem:$0xE0] =	vst v1  }
0x30: {  	v1 =	vsel vm0, v3, v0;
	[tilespmem:$0x90] =	vst v2  }
0x31: {  	[tilespmem:$0x80] =	vst v1  }
0x32: {  	[spmem:s2] =	stream.indirect.scatter.add.f32 [tilespmem:s15], [sflag:$0x3], $0x40, s12, s12, $0xb8;
	[tilespmem:$0xC180] =	vst v63  }
0x33: {  	_ =	swait.ge [sflag:s11], $0x2000  }
0x34: {  	[sflag:s11] =	ssyncset.done $0x0  }
0x35: {  	s19 =	sadd.s32 s19, s9;
	[sflag:s11] =	ssyncadd.s32 $0xFFFFE000  }
0x36: {  	[tilespmem:s3], [sflag:$0x1] =	stream.strided.gather [hbm4b:s19+s12], $0x180, s13, s12, $0x38;
	[tilespmem:$0xC180] =	vst v63  }
0x37: {  	_ =	swait.ge [sflag:s14], $0x180  }
0x38: {  	[sflag:s14] =	ssyncset.done $0x0  }
.Ltmp0:
0x39: {  	[sflag:s14] =	ssyncadd.s32 $0xFFFFFE80;
	(pc) =	sbr.rel @p0 .LBB2_2-.Ltmp0, $4  }
0x3a: {  	[tilespmem:s15], [sflag:$0x2] =	stream.indirect.gather [hbm4b:s4+s12], $0x40, s3, s12, $0xb8;
	[tilespmem:$0xC180] =	vst v63  }
0x3b: {  	_ =	swait.ge [sflag:s16], $0x2000  }
0x3c: {  	[sflag:s16] =	ssyncset.done $0x0  }
0x3d: {  	[sflag:s16] =	ssyncadd.s32 $0xFFFFE000  }
0x3e: {  	v1 =	vld [tilespmem:$0xE0]  }
0x3f: {  	v2 =	vld [tilespmem:$0xD0]  }
0x40: {  	v3 =	vld [tilespmem:$0xA0]  }
0x41: {  	v4 =	vld [tilespmem:$0xC0]  }
0x42: {  	v5 =	vld [tilespmem:$0x150]  }
0x43: {  	v6 =	vld [tilespmem:$0x90]  }
0x44: {  	v7 =	vld [tilespmem:$0xF0]  }
0x45: {  	v8 =	vld [tilespmem:$0x120]  }
0x46: {  	v9 =	vld [tilespmem:$0xB0]  }
0x47: {  	v10 =	vld [tilespmem:$0x140]  }
0x48: {  	v11 =	vld [tilespmem:$0x170]  }
0x49: {  	v12 =	vld [tilespmem:$0x130]  }
0x4a: {  	v60 =	vld [tilespmem:$0x160];
	vm0 =	veq.s32 v5, $0x1  }
0x4b: {  	v61 =	vld [tilespmem:$0x110];
	vm10 =	veq.s32 v8, $0x1;
	v2 =	vsel vm0, v2, v0  }
0x4c: {  	vm11 =	veq.s32 v10, $0x1;
	[tilespmem:$0xD0] =	vst v2;
	v2 =	vsel vm10, v3, v0;
	v3 =	vld [tilespmem:$0x100]  }
0x4d: {  	vm12 =	veq.s32 v11, $0x1;
	v4 =	vsel vm11, v4, v0;
	[tilespmem:$0xA0] =	vst v2;
	v2 =	vld [tilespmem:$0x80]  }
0x4e: {  	vm1 =	veq.s32 v12, $0x1;
	v62 =	vsel vm12, v7, v0;
	[tilespmem:$0xC0] =	vst v4  }
0x4f: {  	vm13 =	veq.s32 v60, $0x1;
	v63 =	vsel vm1, v9, v0;
	[tilespmem:$0xF0] =	vst v62  }
0x50: {  	vm14 =	veq.s32 v61, $0x1;
	v1 =	vsel vm13, v1, v0;
	[tilespmem:$0xB0] =	vst v63  }
0x51: {  	[tilespmem:$0xE0] =	vst v1;
	vm15 =	veq.s32 v3, $0x1;
	v3 =	vsel vm14, v6, v0  }
0x52: {  	v1 =	vsel vm15, v2, v0;
	[tilespmem:$0x90] =	vst v3  }
0x53: {  	[tilespmem:$0x80] =	vst v1  }
0x54: {  	[spmem:s2] =	stream.indirect.scatter.add.f32 [tilespmem:s15], [sflag:$0x3], $0x40, s12, s12, $0xb8;
	[tilespmem:$0xC180] =	vst v63  }
0x55: {  	_ =	swait.ge [sflag:s11], $0x2000  }
0x56: {  	s17 =	sadd.s32 $0x1, s17;
	[sflag:s11] =	ssyncset.done $0x0  }
0x57: {  	p0 =	sne.s32 s17, s8;
	[sflag:s11] =	ssyncadd.s32 $0xFFFFE000  }
.Ltmp1:
0x58: {  	[bflag:$0x0] =	sbarrier.arrive $0xFFFF;
	(pc) =	sbr.rel @p0 .LBB2_1-.Ltmp1, $4  }
0x59: {  	[hbm:s7], [sflag:s6] =	dma.local [spmem:s10], $0x1400  }
0x5a: {  	_ =	swait.ge [sflag:s11], $0x1400  }
0x5b: {  	[sflag:s11] =	ssyncset.done $0x0  }
0x5c: {  	[sflag:s11] =	ssyncadd.s32 $0xFFFFEC00  }
0x5d: {  	_ =	sfence.sel $0x180000  }
0x5e: {  	[bflag:$0x0] =	sbarrier.arrive $0xFFFF  }
0x5f: {  	p0 =	sne.s32 s0, $0x0;
	_ =	strace $0x90000047  }
0x60: {  	s0 =	sadd.s32 @!p0 $0x100000, s1;
	[bflag:$0x2] =	sbarrier.arrive $0xFFFF  }
0x61: {  	[sflag:s0] =	ssyncadd.tile.s32 @!p0 $0x1;
	_ =	shalt  }
.Lfunc_end2:
_tile_overlayer_lowered:
.L_overlay_start_2:
0x62: {  	(tag) =	ssettag $0x2  }
0x63: {  	s0 =	rddreg [dreg:$0x0];
	s2 =	stileid.u32  }
0x64: {  	s1 =	rddreg [dreg:$0x1];
	p0 =	sne.s32 s2, $0x0  }
0x65: {  	s3 =	rddreg [dreg:$0x2];
	[bflag:$0x3] =	sbarrier.arrive $0xFFFF;
	s2 =	simm.s32 @!p0 $0x1C03  }
0x66: {  	[timem:s3], [sflag:s2] =	dma.local @!p0 [hbm:s0], s1  }
0x67: {  	s0 =	simm.s32 @!p0 $0x3  }
0x68: {  	_ =	swait.ge @!p0 [sflag:s0], s1  }
0x69: {  	s1 =	ssub.s32 @!p0 $0x0, s1;
	[sflag:s0] =	ssyncset.done @!p0 $0x0  }
0x6a: {  	[sflag:s0] =	ssyncadd.s32 @!p0 s1  }
0x6b: {  	[bflag:$0x3] =	sbarrier.arrive $0xFFFF  }
0x6c: {  	_ =	shalt  }

// kernel: scatter_offload_async_start.1
scs
__scs_entry_jumppad:
0x0: {  	(pc) =	sbr.rel $0x88, $3  }
0x1: {  	(tag) =	ssettag $0x0;
	lr =	simm.s32 $0x1  }
0x2: {  	[smem:$0x3F75] =	sst lr;
	_ =	strace $0xD0000000  }
0x3: {  	_ = 	snop  }
0x4: {  	_ = 	snop  }
0x5: {  	_ = 	snop  }
0x6: {  	_ = 	snop  }
0x7: {  	_ = 	snop  }
__scs_overlays_trampoline_lowered:
0x8: {  	[smem:$0x3F84] =	sst s0  }
0x9: {  	[smem:$0x3F85] =	sst s1  }
0xa: {  	[smem:$0x3F86] =	sst s2  }
0xb: {  	[smem:$0x3F87] =	sst s3  }
0xc: {  	[smem:$0x3F88] =	sst s4  }
0xd: {  	[smem:$0x3F89] =	sst s5  }
0xe: {  	[smem:$0x3F8A] =	sst s6  }
0xf: {  	[smem:$0x3F8B] =	sst s7  }
0x10: {  	[smem:$0x3F8C] =	sst s8  }
0x11: {  	[smem:$0x3F8D] =	sst s9;
	s0 =	simm.s32 @!p0 $0x0  }
0x12: {  	s1 =	sld [smem:$0x3F73];
	s0 =	simm.s32 @p0 $0x1  }
0x13: {  	[smem:$0x3F8E] =	sst s0;
	s0 =	simm.s32 @!p1 $0x0  }
0x14: {  	s2 =	sld [smem:$0x3F72];
	s0 =	simm.s32 @p1 $0x1  }
0x15: {  	[smem:$0x3F8F] =	sst s0;
	s0 =	simm.s32 @!p2 $0x0  }
0x16: {  	s3 =	sld [smem:$0x3FDB];
	s0 =	simm.s32 @p2 $0x1  }
0x17: {  	s4 =	simm.s32 $0x1BF5;
	[smem:$0x3F91] =	sst s0  }
0x18: {  	s0 =	sld [smem:$0x3F74];
	_ =	swait.ge [sflag:s4], $0x0  }
0x19: {  	s7 =	sld [smem:$0x3F75]  }
0x1a: {  	s8 =	sadd.s32 $0xFFFFE003, lr  }
0x1b: {  	s9 =	sadd.s32 $0xFFFFFEF7, lr;
	s5 =	simm.s32 $0xFFFFFFFF;
	p2 =	slt.u32 s8, $0xFFFFF086  }
0x1c: {  	p1 =	slt.u32 s9, $0xF7A;
	s5 =	simm.s32 @!p2 $0x0  }
0x1d: {  	s5 =	simm.s32 @p1 $0x1;
	p0 =	seq.s32 s7, s2  }
0x1e: {  	s7 =	smul.u32 @!p0 $0xF7A, s2;
	p2 =	seq.s32 @!p0 s5, $0x0  }
0x1f: {  	s9 =	smul.u32 $0xF7A, s1;
	s8 =	simm.s32 @!p0 $0x1BF5;
	p2 =	por !p2, p0  }
0x20: {  	[sflag:s8] =	ssyncset.s32 @!p0 $0xFFFFF086;
	s6 =	sadd.s32 @!p0 s3, s7;
	s7 =	simm.s32 @!p0 $0x108  }
0x21: {  	s3 =	sadd.s32 s3, s9;
	s6 =	sadd.s32 @!p0 $0x88, s6;
	s7 =	simm.s32 @p2 $0x1082  }
0x22: {  	[simem:s7], [sflag:s8] =	dma.local @!p0 [hbm:s6], $0xF7A  }
0x23: {  	s9 =	sor.u32 $0xD0000000, s2;
	s6 =	simm.s32 $0x108;
	_ =	swait.ge @!p0 [sflag:s8], $0x0  }
0x24: {  	s3 =	sadd.s32 $0x88, s3;
	s6 =	simm.s32 @!p1 $0x1082;
	[sflag:s4] =	ssyncset.s32 $0xFFFFF086  }
0x25: {  	[simem:s6], [sflag:s4] =	dma.local [hbm:s3], $0xF7A  }
0x26: {  	[smem:$0x3F75] =	sst s1;
	(tag) =	ssettag s2;
	_ =	strace s9  }
0x27: {  	s1 =	sld [smem:$0x3F85]  }
0x28: {  	s2 =	sld [smem:$0x3F86]  }
0x29: {  	s4 =	sld [smem:$0x3F88]  }
0x2a: {  	p0 =	seq.s32 s5, $0x0;
	s5 =	sld [smem:$0x3F89]  }
0x2b: {  	s6 =	sld [smem:$0x3F8A]  }
0x2c: {  	s7 =	sld [smem:$0x3F8B]  }
0x2d: {  	s3 =	simm.s32 $0x108;
	s8 =	sld [smem:$0x3F8C]  }
0x2e: {  	s3 =	simm.s32 @!p0 $0x1082;
	s9 =	sld [smem:$0x3F8D]  }
0x2f: {  	lr =	sadd.s32 s0, s3;
	s0 =	sld [smem:$0x3F84]  }
0x30: {  	s3 =	sld [smem:$0x3F87]  }
0x31: {  	[smem:$0x3F90] =	sst s10  }
0x32: {  	s10 =	sld [smem:$0x3F8E];
	_ =	sdelay $0x3  }
0x33: {  	p0 =	seq.s32 s10, $0x1;
	s10 =	sld [smem:$0x3F90];
	_ =	sdelay $0x3  }
0x34: {  	[smem:$0x3F90] =	sst s10  }
0x35: {  	s10 =	sld [smem:$0x3F8F];
	_ =	sdelay $0x3  }
0x36: {  	p1 =	seq.s32 s10, $0x1;
	s10 =	sld [smem:$0x3F90];
	_ =	sdelay $0x3  }
0x37: {  	[smem:$0x3F90] =	sst s10  }
0x38: {  	s10 =	sld [smem:$0x3F91]  }
0x39: {  	_ = 	snop;
	(pc) =	sbr.ind lr, $3  }
0x3a: {  	_ = 	snop  }
0x3b: {  	_ = 	snop  }
0x3c: {  	p2 =	seq.s32 s10, $0x1;
	s10 =	sld [smem:$0x3F90]  }
0x3d: {  	_ =	shalt  }
0x3e: {  	_ =	shalt  }
0x3f: {  	_ =	shalt  }
0x40: {  	_ =	shalt  }
0x41: {  	_ =	shalt  }
0x42: {  	_ =	shalt  }
0x43: {  	_ =	shalt  }
0x44: {  	_ =	shalt  }
0x45: {  	_ =	shalt  }
0x46: {  	_ =	shalt  }
0x47: {  	_ =	shalt  }
0x48: {  	_ =	shalt  }
0x49: {  	_ =	shalt  }
0x4a: {  	_ =	shalt  }
0x4b: {  	_ =	shalt  }
0x4c: {  	_ =	shalt  }
0x4d: {  	_ =	shalt  }
0x4e: {  	_ =	shalt  }
0x4f: {  	_ =	shalt  }
0x50: {  	_ =	shalt  }
0x51: {  	_ =	shalt  }
0x52: {  	_ =	shalt  }
0x53: {  	_ =	shalt  }
0x54: {  	_ =	shalt  }
0x55: {  	_ =	shalt  }
0x56: {  	_ =	shalt  }
0x57: {  	_ =	shalt  }
0x58: {  	_ =	shalt  }
0x59: {  	_ =	shalt  }
0x5a: {  	_ =	shalt  }
0x5b: {  	_ =	shalt  }
0x5c: {  	_ =	shalt  }
0x5d: {  	_ =	shalt  }
0x5e: {  	_ =	shalt  }
0x5f: {  	_ =	shalt  }
0x60: {  	_ =	shalt  }
0x61: {  	_ =	shalt  }
0x62: {  	_ =	shalt  }
0x63: {  	_ =	shalt  }
0x64: {  	_ =	shalt  }
0x65: {  	_ =	shalt  }
0x66: {  	_ =	shalt  }
0x67: {  	_ =	shalt  }
0x68: {  	_ =	shalt  }
0x69: {  	_ =	shalt  }
0x6a: {  	_ =	shalt  }
0x6b: {  	_ =	shalt  }
0x6c: {  	_ =	shalt  }
0x6d: {  	_ =	shalt  }
0x6e: {  	_ =	shalt  }
0x6f: {  	_ =	shalt  }
0x70: {  	_ =	shalt  }
0x71: {  	_ =	shalt  }
0x72: {  	_ =	shalt  }
0x73: {  	_ =	shalt  }
0x74: {  	_ =	shalt  }
0x75: {  	_ =	shalt  }
0x76: {  	_ =	shalt  }
0x77: {  	_ =	shalt  }
0x78: {  	_ =	shalt  }
0x79: {  	_ =	shalt  }
0x7a: {  	_ =	shalt  }
0x7b: {  	_ =	shalt  }
0x7c: {  	_ =	shalt  }
0x7d: {  	_ =	shalt  }
0x7e: {  	_ =	shalt  }
0x7f: {  	_ =	shalt  }
0x80: {  	_ =	shalt  }
0x81: {  	_ =	shalt  }
0x82: {  	_ =	shalt  }
0x83: {  	_ =	shalt  }
0x84: {  	_ =	shalt  }
0x85: {  	_ =	shalt  }
0x86: {  	_ =	shalt  }
0x87: {  	_ =	shalt  }
.Lfunc_end0:
.L_simem_size_0:
called_computation.1_lowered:
.L_overlay_start_0:
0x88: {  	s0 =	sld [smem:$0x3FD9]  }
0x89: {  	s1 =	sld [smem:$0x3FFE];
	_ =	sdelay $0x3  }
0x8a: {  	s0 =	sadd.s32 s1, s0  }
0x8b: {  	[smem:$0x3F9C] =	sst s0  }
0x8c: {  	_ = 	snop  }
0x8d: {  	s0 =	sld [smem:$0x3FD0];
	(tm) =	ssettm $0x1  }
0x8e: {  	s16 =	sld [smem:$0x3FFB];
	_ =	sdelay $0x3  }
0x8f: {  	_ =	strace s16  }
0x90: {  	s1 =	sld [smem:$0x3FFC];
	_ =	sdelay $0x3  }
0x91: {  	_ =	strace s1  }
0x92: {  	s1 =	sld [smem:$0x3FFD];
	_ =	sdelay $0x3  }
0x93: {  	_ =	strace s1  }
0x94: {  	_ =	strace $0x8FFFFFFF  }
0x95: {  	s17 =	sld [smem:$0x3FDB];
	_ =	sdelay $0x1  }
0x96: {  	s2 =	simm.s32 $_scs_section_size  }
0x97: {  	s3 =	simm.s32 $_size__tile_overlayer_lowered;
	s4 =	simm.s32 $_tile_overlayer_lowered  }
0x98: {  	s20 =	simm.s32 $0x1BFF;
	s19 =	sshll.u32 s4, $0x1;
	s1 =	sadd.s32 s2, s17  }
0x99: {  	s5 =	simm.s32 $0x0;
	s18 =	sshll.u32 s3, $0x1;
	s3 =	sadd.s32 s19, s1  }
0x9a: {  	[timem:s5], [sflag:s20] =	dma.local [hbm:s3], s18  }
0x9b: {  	_ =	swait.ge [sflag:s20], s18  }
0x9c: {  	s2 =	ssub.s32 $0x0, s18;
	[sflag:s20] =	ssyncset.done $0x0  }
0x9d: {  	[sflag:s20] =	ssyncadd.s32 s2;
	_ =	sdelay $0x1  }
0x9e: {  	s21 =	simm.s32 $0x1B8B  }
0x9f: {  	_ =	swait.ge [sflag:s21], $0x1  }
0xa0: {  	[sflag:s21] =	ssyncset.done $0x0  }
0xa1: {  	s23 =	simm.s32 $0x1B8E;
	s22 =	sld [smem:$0x3FFE];
	[sflag:s21] =	ssyncadd.s32 $0xFFFFFFFF  }
0xa2: {  	s24 =	simm.s32 $execute0_lowered;
	[smem:$0x3FD2] =	sst s23  }
0xa3: {  	s3 =	sshll.u32 s24, $0x1;
	_ =	strace $0x8000004C;
	[dreg:$0x1] =	wrdreg $0xFFFFFFFF  }
0xa4: {  	s25 =	simm.s32 $_size_execute0_lowered;
	s1 =	sadd.s32 s1, s3;
	[dreg:$0x0] =	wrdreg $0x0  }
0xa5: {  	s3 =	sshll.u32 s25, $0x1;
	[dreg:$0x2] =	wrdreg s1  }
0xa6: {  	[dreg:$0x3] =	wrdreg s3  }
0xa7: {  	[dreg:$0x4] =	wrdreg $0xC0  }
0xa8: {  	_ =	task [dreg:s5], $0x5FFFF  }
0xa9: {  	[dreg:$0x1] =	wrdreg $0xFFFFFFFF  }
0xaa: {  	[dreg:$0x0] =	wrdreg $0x60  }
0xab: {  	[dreg:$0x2] =	wrdreg s0  }
0xac: {  	[dreg:$0x3] =	wrdreg s22  }
0xad: {  	[dreg:$0x4] =	wrdreg $0xA  }
0xae: {  	_ =	task.clear_ibuf [dreg:s5], $0x5FFFF;
	_ =	strace $0x9000004C  }
0xaf: {  	s26 =	simm.s32 $0xA;
	_ =	strace $0x8000004E  }
0xb0: {  	_ =	swait.ge [sflag:s26], $0x1  }
0xb1: {  	[sflag:s26] =	ssyncadd.s32 $0xFFFFFFFF  }
0xb2: {  	_ =	strace $0x9000004E  }
0xb3: {  	_ =	sfence  }
0xb4: {  	s28 =	sld [smem:$0x0];
	_ =	sdelay $0x1  }
0xb5: {  	s29 =	srdreg.scid  }
0xb6: {  	s30 =	sshll.u32 s29, $0xD;
	s31 =	sshrl.u32 s29, $0x2  }
0xb7: {  	s2 =	sand.u32 $0x4000, s30;
	s1 =	sand.u32 $0x1, s29;
	s0 =	sadd.s32 s31, s28  }
0xb8: {  	s1 =	sor.u32 s2, s1;
	s0 =	sshll.u32 s0, $0x11  }
0xb9: {  	s0 =	sor.u32 s0, s1  }
0xba: {  	s0 =	sadd.s32 $0x8F2B, s0  }
0xbb: {  	[sflag:s0] =	ssyncadd.remote.s32 $0x1  }
0xbc: {  	_ =	sfence.sel $0xFFFF  }
0xbd: {  	[dreg:$0x0] =	wrdreg $0xFFFFFFFF;
	(pc) =	sbr.abs _section_cstart, $3  }
0xbe: {  	[dreg:$0x1] =	wrdreg $0xFFFFFFFF  }
0xbf: {  	_ =	task.clear_ibuf [dreg:s5], $0x2FFFF;
	_ =	strace $0x9FFFFFFF  }
0xc0: {  	(tm) =	ssettm $0x7FFFFFFF  }
0xc1: {  	_ =	shalt  }
tec
execute0_lowered:
.L_overlay_start_1:
0x0: {  	(tag) =	ssettag $0x1  }
0x1: {  	s1 =	rddreg [dreg:$0x0];
	s6 =	stileid.u32  }
0x2: {  	s0 =	rddreg [dreg:$0x1];
	_ =	strace $0x8000004D;
	s2 =	smin.u32 s6, $0x9  }
0x3: {  	s9 =	simm.s32 $0x1;
	p0 =	slt.u32 s6, $0x9;
	s2 =	sadd.s32 s6, s2  }
0x4: {  	v1 =	vimm.s32 $0xFFFFFFFF;
	[sflag:s9] =	ssyncpa.u1 $0x0;
	s3 =	smul.u32 $0x190, s2;
	s2 =	simm.s32 $0x320  }
0x5: {  	[tilespmem:$0x10] =	vst v1;
	s2 =	simm.s32 @!p0 $0x190  }
0x6: {  	v0 =	vimm.f32 $0.0e+00;
	[tilespmem:$0x20] =	vst v1;
	s2 =	sadd.s32 s2, s3  }
0x7: {  	[tilespmem:$0x30] =	vst v0;
	s4 =	smin.u32 s2, $0x2710  }
0x8: {  	[tilespmem:$0x40] =	vst v0;
	s2 =	ssub.s32 s4, s3  }
0x9: {  	[tilespmem:$0x50] =	vst v0;
	p0 =	sgt.s32 s2, $0x0  }
0xa: {  	[tilespmem:$0x60] =	vst v1;
	s2 =	simm.s32 @!p0 $0x0  }
0xb: {  	s7 =	simm.s32 $0x2;
	s8 =	simm.s32 $0x8;
	[tilespmem:$0x70] =	vst v1;
	s5 =	sand.u32 $0xFFF0, s2  }
0xc: {  	s31 =	simm.s32 $0x9;
	s16 =	simm.s32 $0x0;
	[tilespmem:$0x80] =	vst v1;
	s5 =	sshrl.u32 s5, $0x4  }
0xd: {  	s17 =	simm.s32 $0xF0;
	s18 =	simm.s32 $0xFFFFFFFF;
	v1 =	vimm.s32 $0x0;
	[tilespmem:$0xB0] =	vst v0;
	s5 =	smul.u32 $0xA3E, s5  }
0xe: {  	s19 =	simm.s32 $0xFFFFFDE0;
	s20 =	simm.s32 $0xFFFFFFFE;
	s21 =	simm.s32 $0xF;
	[tilespmem:$0x90] =	vst v1  }
0xf: {  	[tilespmem:$0xA0] =	vst v1;
	[sflag:s7] =	ssyncpa.u1 $0x0;
	s7 =	simm.s32 $0x7;
	s10 =	sshrl.u32 s5, $0x10  }
0x10: {  	s25 =	simm.s32 $0x0;
	[sflag:s7] =	ssyncpa.u1 $0x0;
	s11 =	smul.u32 $0x190, s10  }
0x11: {  	s24 =	simm.s32 $0x0;
	s14 =	sshllo.u32 s6, $0x1;
	[sflag:s8] =	ssyncpa.u1 $0x0  }
.Ltmp0:
0x12: {  	s23 =	smov.u32 s3;
	p0 =	sne.s32 s2, s11;
	(pc) =	sbr.rel .LBB2_1-.Ltmp0, $4  }
0x13: {  	s5 =	sadd.s32 $0x70E00, s0;
	s0 =	sadd.s32 $0x71400, s0;
	s9 =	simm.s32 @!p0 $0x0  }
0x14: {  	[sflag:s31] =	ssyncpa.u1 $0x0;
	[dreg:$0x3] =	wrdreg s0;
	s9 =	sadd.s32 s10, s9  }
0x15: {  	vm0 =	vmmov $0xffff;
	v2 =	vlaneseq.u32;
	p0 =	por $0x0, $0x0;
	s10 =	sshll.u32 s6, $0x1;
	s11 =	sadd.s32 $0x1, s9  }
0x16: {  	vm1 =	vmxor vm1, vm1;
	vm2 =	vmmov $0x1;
	vm3 =	vcmask $0x3F3C;
	s12 =	sadd.s32 $0x2, s9;
	s13 =	sor.u32 $0x81, s10;
	s15 =	sor.u32 $0x80, s10  }
.LBB2_9:
0x17: {  	p1 =	slt.u32 s24, $0x3  }
0x18: {  	s0 =	simm.s32 @!p1 $0x2  }
0x19: {  	_ =	swait.ge @!p1 [sflag:s0], $0x190  }
0x1a: {  	[sflag:s0] =	ssyncset.done @!p1 $0x0  }
0x1b: {  	[sflag:s0] =	ssyncadd.s32 @!p1 $0xFFFFFE70;
	s0 =	simm.s32 @!p1 $0x9  }
0x1c: {  	_ =	swait.ge @!p1 [sflag:s0], $0x10  }
0x1d: {  	[sflag:s0] =	ssyncset.done @!p1 $0x0  }
0x1e: {  	[sflag:s0] =	ssyncadd.s32 @!p1 $0xFFFFFFF0;
	p1 =	sne.s32 s24, s12  }
.Ltmp1:
0x1f: {  	s2 =	sadd.s32 $0x190, s23;
	(pc) =	sbr.rel @!p1 .LBB2_10-.Ltmp1, $4  }
0x20: {  	s6 =	smov.u32 s3;
	s31 =	sadd.s32 $0x1, s24;
	s17 =	sadd.s32 $0x190, s17  }
0x21: {  	s18 =	sadd.s32 $0x1, s18;
	s25 =	smov.u32 s23;
	p2 =	slt.s32 s2, s4  }
0x22: {  	p0 =	por !p0, !p0;
	s19 =	sadd.s32 $0x190, s19;
	s6 =	smov.u32 @p2 s2  }
0x23: {  	s20 =	sadd.s32 $0x1, s20;
	s23 =	smov.u32 s6;
	s24 =	smov.u32 s31  }
.LBB2_1:
0x24: {  	p1 =	sge.u32 s24, s9  }
0x25: {  	s0 =	smulhi.u32 @!p1 $0xAAAAAAAB, s24;
	_ =	sdelay $0x1  }
0x26: {  	s0 =	sshrl.u32 @!p1 s0, $0x1  }
0x27: {  	s0 =	smul.u32 @!p1 $0x3, s0;
	_ =	sdelay $0x1  }
0x28: {  	s0 =	ssub.s32 @!p1 s24, s0  }
0x29: {  	s0 =	smul.u32 @!p1 $0x640, s0;
	_ =	sdelay $0x1  }
0x2a: {  	s2 =	sshrl.u32 @!p1 s23, $0x3;
	s0 =	sshrl.u32 @!p1 s0, $0x2  }
0x2b: {  	s22 =	sand.u32 @!p1 $0x7, s23;
	s2 =	sadd.s32 @!p1 s5, s2;
	s0 =	sadd.s32 @!p1 $0x100, s0  }
0x2c: {  	[tilespmem:s0], [sflag:$0x7] =	stream.linear.gather @!p1 [hbm4b:s2+s22], $0x190, $0x38;
	[tilespmem:$0xF30] =	vst v63  }
0x2d: {  	s0 =	sadd.s32 $0xFFFFFFFF, s24  }
0x2e: {  	p1 =	sge.u32 s0, s9  }
.Ltmp2:
0x2f: {  	_ = 	snop;
	(pc) =	sbr.rel @p1 .LBB2_5-.Ltmp2, $1  }
0x30: {  	_ =	sdelay $0x3  }
0x31: {  	s2 =	smulhi.u32 $0xAAAAAAAB, s0;
	_ =	sdelay $0x1  }
0x32: {  	s2 =	sshrl.u32 s2, $0x1  }
0x33: {  	s2 =	smul.u32 $0x3, s2;
	_ =	sdelay $0x1  }
0x34: {  	s2 =	ssub.s32 s0, s2  }
0x35: {  	s2 =	smul.u32 $0x640, s2  }
0x36: {  	_ =	swait.ge [sflag:s7], $0x190  }
0x37: {  	[sflag:s7] =	ssyncset.done $0x0;
	s2 =	sshrl.u32 s2, $0x2  }
0x38: {  	[sflag:s7] =	ssyncadd.s32 $0xFFFFFE70;
	(ifvalue) =	ssetifvalue $0xFFFFFFFF;
	v3 =	vld.msk [tilespmem:s2+$0x100 ss:$0x1], $0xffff;
	_ =	sdelay $0x2  }
0x39: {  	s30 =	smulhi.u32 $0xAAAAAAAB, s18;
	p1 =	sne.s32 s24, $0x1  }
0x3a: {  	v4 =	vimm.s32 @!p1 $0x0  }
0x3b: {  	s2 =	sshrl.u32 s30, $0x1;
	v4 =	vperm.xlane @!p1 v3, v4  }
0x3c: {  	s22 =	sshll.u32 s24, $0x4;
	s2 =	smul.u32 $0xFFFFED40, s2;
	vm4 =	vlt.u32 v3, $0x80  }
0x3d: {  	s22 =	sand.u32 $0x10, s22;
	v3 =	vnsel vm4, $0xFFFFFFFE, v3;
	vm4 =	vlt.u32 @!p1 v4, $0x80  }
0x3e: {  	s2 =	sshra.s32 s2, $0x2;
	[tilespmem:s22+$0x60] =	vst v3;
	v3 =	vnsel @!p1 vm4, $0xFFFFFFFE, v4  }
0x3f: {  	s28 =	sadd.s32 s2, s17;
	[tilespmem:$0x80] =	vst @!p1 v3  }
0x40: {  	v3 =	vld.msk [tilespmem:s28+$0x0 ss:$0x1], $0xffff;
	_ =	sdelay $0x4  }
0x41: {  	(xrf1) =	vunique.msk.u32 $0xffff, v3;
	_ =	sdelay $0xd  }
0x42: {  	v4 =	vimm.s32 $0xFFFFFFFF;
	v5, _, _ =	vpop (xrf1)  }
0x43: {  	vm5 =	vne.s32 v3, v4;
	vm4 =	veq.s32 v5, v2  }
0x44: {  	vm6 =	vlt.u32 v3, $0x80;
	vm4 =	vmand vm5, vm4  }
0x45: {  	vm4 =	vmand vm6, vm4  }
0x46: {  	v4 =	vnsel vm4, $0xFFFFFFFF, v3  }
0x47: {  	s31 =	sand.u32 $0x1, s0  }
0x48: {  	s0 =	simm.s32 $0x190;
	p1 =	seq.s32 s31, $0x1  }
0x49: {  	s0 =	simm.s32 @!p1 $0x0  }
0x4a: {  	s26 =	sadd.s32 $0x730, s0;
	(ifvalue) =	ssetifvalue $0xFFFFFFFF  }
0x4b: {  	v3 =	vperm.xlane v3, v1;
	[tilespmem:s26], [sflag:$0x8] =	stream.indirect_vreg.gather [hbm4b:s1+s16], $0x1, v4, vm0, $0x4038;
	v4 =	vnsel vm6, $0xFFFFFFFE, v4;
	[tilespmem:$0xF30] =	vst v63  }
0x4c: {  	s2 =	simm.s32 $0x0;
	s22 =	sadd.s32 $0xFFFFFFF0, s28;
	[tilespmem:s28+$0x0] =	vst v4  }
.LBB2_3:
0x4d: {  	v4 =	vld.msk [tilespmem:s22+$0x0 ss:$0x1], $0xffff;
	s2 =	sadd.s32 $0x10, s2;
	v5 =	vmov v3;
	s28 =	smov.u32 s22  }
0x4e: {  	p1 =	slt.u32 s2, $0x180;
	_ =	sdelay $0x4  }
0x4f: {  	v3 =	vperm.xlane v4, v1;
	(xrf1) =	vunique.msk.u32 $0xffff, v4;
	_ =	sdelay $0xd  }
0x50: {  	v6, _, _ =	vpop (xrf1)  }
0x51: {  	vm5 =	vne.s32 v4, v5;
	vm4 =	veq.s32 v6, v2  }
0x52: {  	vm6 =	vlt.u32 v4, $0x80;
	vm4 =	vmand vm5, vm4  }
0x53: {  	vm4 =	vmand vm6, vm4  }
0x54: {  	v4 =	vnsel vm4, $0xFFFFFFFF, v4  }
.Ltmp3:
0x55: {  	v5 =	vnsel vm6, $0xFFFFFFFE, v4;
	(pc) =	sbr.rel @p1 .LBB2_3-.Ltmp3, $3  }
0x56: {  	_ =	sdelay $0x1  }
0x57: {  	s22 =	sadd.s32 $0xFFFFFFF0, s22;
	s26 =	sadd.s32 $0xFFFFFFF0, s26;
	(ifvalue) =	ssetifvalue $0xFFFFFFFF  }
0x58: {  	[tilespmem:s26], [sflag:$0x8] =	stream.indirect_vreg.gather [hbm4b:s1+s16], $0x1, v4, vm0, $0x4038;
	[tilespmem:s28+$0x0] =	vst v5  }
0x59: {  	s2 =	sshrl.u32 s25, $0x3;
	s6 =	rddreg [dreg:$0x3]  }
0x5a: {  	s0 =	sadd.s32 $0x8D0, s0;
	s2 =	sadd.s32 s6, s2  }
0x5b: {  	[tilespmem:s0], [sflag:$0x8] =	stream.linear.gather [hbm:s2], $0x190, $0x38;
	[tilespmem:$0xF30] =	vst v63  }
.LBB2_5:
0x5c: {  	p1 =	slt.u32 s24, $0x2  }
0x5d: {  	p2 =	sge.u32 @!p1 s24, s12  }
0x5e: {  	p1 =	por p1, p2  }
.Ltmp4:
0x5f: {  	_ = 	snop;
	(pc) =	sbr.rel @p1 .LBB2_9-.Ltmp4, $1  }
0x60: {  	_ =	sdelay $0x3  }
0x61: {  	s0 =	sadd.s32 $0xFFFFFFFE, s24  }
0x62: {  	s2 =	smulhi.u32 $0xAAAAAAAB, s0;
	_ =	sdelay $0x1  }
0x63: {  	s2 =	sshrl.u32 s2, $0x1  }
0x64: {  	s2 =	smul.u32 $0x3, s2;
	_ =	sdelay $0x1  }
0x65: {  	s0 =	ssub.s32 s0, s2  }
0x66: {  	_ =	swait.ge [sflag:s8], $0x320;
	s0 =	smul.u32 $0x190, s0  }
0x67: {  	p1 =	sne.s32 s24, s11;
	[sflag:s8] =	ssyncset.done $0x0  }
0x68: {  	[sflag:s8] =	ssyncadd.s32 $0xFFFFFCE0;
	s2 =	sadd.s32 @!p1 $0x28F, s0  }
0x69: {  	[spmem:s13] =	stream.linear.scatter @!p1 [tilespmem:s2], [sflag:$0x1], $0x1, $0x38;
	[tilespmem:$0xF30] =	vst v63  }
0x6a: {  	s2 =	simm.s32 @!p1 $0x1  }
0x6b: {  	_ =	swait.ge @!p1 [sflag:s2], $0x1  }
0x6c: {  	s22 =	sshll.u32 s24, $0x4;
	[sflag:s2] =	ssyncset.done @!p1 $0x0  }
0x6d: {  	s25 =	sand.u32 $0x10, s22;
	[sflag:s2] =	ssyncadd.s32 @!p1 $0xFFFFFFFF  }
0x6e: {  	s2 =	sxor.u32 $0x10, s25;
	v4 =	vld [tilespmem:s25+$0x10]  }
0x6f: {  	v5 =	vld [tilespmem:s2+$0x60]  }
0x70: {  	v3 =	vld [tilespmem:$0x80];
	_ =	sdelay $0x2  }
0x71: {  	(v2sf) =	vpush v4, $0x0  }
0x72: {  	(v2sf) =	vpush v5, $0x0  }
0x73: {  	(v2sf) =	vpush v3, $0x0;
	_ =	sdelay $0xc  }
0x74: {  	s6 =	spop (v2sf)  }
0x75: {  	s28 =	spop (v2sf)  }
0x76: {  	s26 =	spop (v2sf)  }
0x77: {  	p2 =	seq.s32 s6, s28;
	p3 =	seq.s32 s26, s6  }
0x78: {  	p3 =	por p2, p3  }
0x79: {  	s6 =	sand.u32 $0x1, s24;
	v4 =	vpsel p3, $0xFFFFFFFF, v4  }
0x7a: {  	s28 =	smul.u32 $0x190, s6;
	[tilespmem:s25+$0x10] =	vst.msk $0x1, v4  }
0x7b: {  	v4 =	vld [tilespmem:$0x30]  }
0x7c: {  	v5 =	vld [tilespmem:s28+$0x8D0]  }
0x7d: {  	v6 =	vld [tilespmem:s25+$0x40];
	_ =	sdelay $0x3  }
0x7e: {  	vm4 =	vmmov vm1;
	v5 =	vadd.f32 v5, v4  }
0x7f: {  	vm5 =	vmmov vm2;
	vm4 =	vmmov @p2 vm2;
	v4 =	vadd.f32 v6, v4  }
0x80: {  	s22 =	sshll.u32 s6, $0x4;
	vm5 =	vmmov @p3 vm1;
	[tilespmem:s28+$0x8D0] =	vst.msk vm4, v5  }
0x81: {  	[tilespmem:s22+$0xF10] =	vst.msk vm5, v4  }
0x82: {  	v4 =	vld [tilespmem:s28+$0x730];
	_ =	sdelay $0x3  }
0x83: {  	v5 =	vimm.f32 $0.0e+00  }
0x84: {  	v4 =	vshift.insert v4, v5, s21  }
0x85: {  	s29 =	sor.u32 $0x40, s2  }
0x86: {  	[tilespmem:s29+$0x0] =	vst.msk $0x1, v4  }
0x87: {  	[tilespmem:s28+$0x73F] =	vst.msk $0x1, v5  }
0x88: {  	v4 =	vld [tilespmem:s0+$0x280];
	_ =	sdelay $0x1  }
0x89: {  	s29 =	smulhi.u32 $0xAAAAAAAB, s20;
	s0 =	simm.s32 $0x1  }
0x8a: {  	s0 =	simm.s32 @!p0 $0x0  }
0x8b: {  	s29 =	sshrl.u32 s29, $0x1;
	s0 =	smul.u32 $0x640, s0  }
0x8c: {  	s29 =	smul.u32 $0xFFFFED40, s29;
	v4 =	vshift.insert v4, v1, s21  }
0x8d: {  	s0 =	sshrl.u32 s0, $0x2  }
0x8e: {  	s29 =	sshra.s32 s29, $0x2;
	s30 =	sadd.s32 $0x8D0, s0;
	[tilespmem:s2+$0x10] =	vst.msk $0x1, v4  }
0x8f: {  	s6 =	sadd.s32 s29, s19;
	v6 =	vld [tilespmem:s30+$0x0]  }
0x90: {  	v7 =	vld [tilespmem:s6+$0x0];
	_ =	sdelay $0x3  }
0x91: {  	v5 =	vadd.f32 v6, v5  }
0x92: {  	vm4 =	vne.s32 v7, $0xFFFFFFFF  }
0x93: {  	(xrf2) =	vadd.seg.scan.f32 vm4, v5;
	_ =	sdelay $0x3  }
0x94: {  	s31 =	sadd.s32 $0x5B0, s0;
	v5 =	vperm.xlane v4, v1  }
0x95: {  	v6 =	vld [tilespmem:s31+$0x0]  }
0x96: {  	vm5 =	veq.s32 v7, v3;
	vm6 =	veq.s32 v7, v5  }
0x97: {  	vm7 =	vgt.u32 v7, $0xFFFFFFFD;
	vm6 =	vmor vm6, vm5  }
0x98: {  	vm6 =	vmor vm6, vm7  }
0x99: {  	v9 =	vld [tilespmem:$0xA0];
	v7 =	vsel vm6, $0xFFFFFFFF, v7  }
0x9a: {  	v10 =	vld [tilespmem:$0x90];
	v6 =	vsel vm5, $0x0, v6;
	v8, _, _ =	vpop (xrf2)  }
0x9b: {  	v6 =	vadd.f32 v8, v6  }
0x9c: {  	s0 =	sadd.s32 $0xBF0, s0  }
0x9d: {  	vm4 =	vmand vm4, vm3;
	[tilespmem:s0+$0x0] =	vst v6;
	(ifvalue) =	ssetifvalue $0xFFFFFFFF  }
0x9e: {  	vm6 =	veq.s32 v9, $0x1;
	[hbm4b:s1+s16] =	stream.indirect_vreg.scatter [tilespmem:s0], [sflag:$0x2], $0x1, v7, vm0, $0x4038;
	v7 =	vsel vm4, $0x0, v8;
	[tilespmem:$0xF30] =	vst v63  }
0x9f: {  	s29 =	sadd.s32 $0xF10, s22;
	s22 =	sadd.s32 $0x10, s6;
	s2 =	simm.s32 $0x0;
	vm4 =	vmor vm6, vm5;
	v6 =	vsel vm5, v8, v10;
	v7 =	vshift.insert v7, v0, s21  }
.LBB2_7:
0xa0: {  	v8 =	vld [tilespmem:s22+$0x0];
	s30 =	sadd.s32 $0x10, s30  }
0xa1: {  	s31 =	sadd.s32 $0x10, s31;
	v9 =	vld [tilespmem:s30+$0x0]  }
0xa2: {  	s2 =	sadd.s32 $0x10, s2;
	v10 =	vld [tilespmem:s31+$0x0]  }
0xa3: {  	p2 =	slt.u32 s2, $0x180;
	_ =	sdelay $0x2  }
0xa4: {  	v7 =	vadd.f32 v9, v7  }
0xa5: {  	vm5 =	vne.s32 v8, $0xFFFFFFFF  }
0xa6: {  	vm6 =	vmand vm5, vm3;
	(xrf2) =	vadd.seg.scan.f32 vm5, v7;
	_ =	sdelay $0x5  }
0xa7: {  	vm7 =	veq.s32 v8, v5;
	vm5 =	veq.s32 v8, v3  }
0xa8: {  	vm8 =	vgt.u32 v8, $0xFFFFFFFD;
	vm4 =	vmor vm4, vm5;
	vm7 =	vmor vm7, vm5  }
0xa9: {  	vm7 =	vmor vm7, vm8  }
0xaa: {  	v8 =	vsel vm7, $0xFFFFFFFF, v8  }
.Ltmp5:
0xab: {  	v7 =	vsel vm5, $0x0, v10;
	v9, _, _ =	vpop (xrf2);
	(pc) =	sbr.rel @p2 .LBB2_7-.Ltmp5, $4  }
0xac: {  	v6 =	vsel vm5, v9, v6;
	v10 =	vadd.f32 v9, v7;
	v7 =	vsel vm6, $0x0, v9  }
0xad: {  	s0 =	sadd.s32 $0x10, s0;
	v7 =	vshift.insert v7, v0, s21  }
0xae: {  	s22 =	sadd.s32 $0x10, s22;
	[tilespmem:s0+$0x0] =	vst v10;
	(ifvalue) =	ssetifvalue $0xFFFFFFFF  }
0xaf: {  	[hbm4b:s1+s16] =	stream.indirect_vreg.scatter [tilespmem:s0], [sflag:$0x2], $0x1, v8, vm0, $0x4038;
	[tilespmem:$0xF30] =	vst v63  }
0xb0: {  	v3 =	vld [tilespmem:s28+$0xD70];
	_ =	sdelay $0x4  }
0xb1: {  	v3 =	vshift.insert v3, v0, s21  }
0xb2: {  	s0 =	simm.s32 $0x30  }
0xb3: {  	[tilespmem:s0+$0x0] =	vst.msk $0x1, v3  }
0xb4: {  	v3 =	vsel vm4, $0x1, v1;
	[tilespmem:$0x90] =	vst v6  }
0xb5: {  	s0 =	sadd.s32 @!p1 $0xD7F, s28;
	[tilespmem:$0xA0] =	vst v3  }
0xb6: {  	[spmem:s14] =	stream.linear.scatter @!p1 [tilespmem:s0], [sflag:$0x1], $0x1, $0x38;
	[tilespmem:$0xF30] =	vst v63  }
0xb7: {  	s0 =	simm.s32 @!p1 $0x1  }
0xb8: {  	v3 =	vmctz.xlane @!p1 vm4;
	_ =	swait.ge @!p1 [sflag:s0], $0x1  }
0xb9: {  	(v2sf) =	vpush @!p1 v4, $0x0  }
0xba: {  	(v2sf) =	vpush @!p1 v3, $0x0;
	_ =	sdelay $0xd  }
0xbb: {  	s2 =	spop @!p1 (v2sf)  }
0xbc: {  	s6 =	spop @!p1 (v2sf)  }
0xbd: {  	p2 =	sne.s32 @!p1 s26, s2;
	p3 =	slt.s32 @!p1 s6, $0xF  }
0xbe: {  	[sflag:s0] =	ssyncset.done @!p1 $0x0;
	p2 =	por p2, p1;
	p3 =	por !p3, p1  }
0xbf: {  	[sflag:s0] =	ssyncadd.s32 @!p1 $0xFFFFFFFF;
	v3 =	vimm.s32 @!p2 $0xFFFFFFFF;
	s6 =	simm.s32 @p3 $0xF  }
0xc0: {  	[tilespmem:$0x80] =	vst @!p2 v3;
	s2 =	sadd.s32 @!p1 $0x90, s6  }
0xc1: {  	[spmem:s10] =	stream.linear.scatter @!p1 [tilespmem:s2], [sflag:$0x1], $0x1, $0x38;
	[tilespmem:$0xF30] =	vst v63  }
0xc2: {  	_ =	swait.ge @!p1 [sflag:s0], $0x1  }
0xc3: {  	[sflag:s0] =	ssyncset.done @!p1 $0x0  }
0xc4: {  	s2 =	simm.s32 @!p1 $0x80;
	[sflag:s0] =	ssyncadd.s32 @!p1 $0xFFFFFFFF  }
0xc5: {  	[spmem:s15] =	stream.linear.scatter @!p1 [tilespmem:s2], [sflag:$0x1], $0x1, $0x38;
	[tilespmem:$0xF30] =	vst v63  }
0xc6: {  	_ =	swait.ge @!p1 [sflag:s0], $0x1  }
0xc7: {  	[sflag:s0] =	ssyncset.done @!p1 $0x0  }
0xc8: {  	[sflag:s0] =	ssyncadd.s32 @!p1 $0xFFFFFFFF;
	(ifvalue) =	ssetifvalue $0xFFFFFFFF;
	v3 =	vld [tilespmem:s25+$0x10];
	_ =	sdelay $0x3  }
.Ltmp6:
0xc9: {  	_ = 	snop;
	(pc) =	sbr.rel .LBB2_9-.Ltmp6, $3  }
0xca: {  	_ =	sdelay $0x1  }
0xcb: {  	(ifvalue) =	ssetifvalue $0xFFFFFFFF  }
0xcc: {  	[hbm4b:s1+s16] =	stream.indirect_vreg.scatter [tilespmem:s29], [sflag:$0x9], $0x1, v3, vm0, $0x4038;
	[tilespmem:$0xF30] =	vst v63  }
.LBB2_10:
0xcd: {  	_ =	sfence.sel $0x180000  }
0xce: {  	s0 =	simm.s32 $0x7;
	[bflag:$0x0] =	sbarrier.arrive $0xFFFF  }
0xcf: {  	s26 =	simm.s32 $0x8;
	[sflag:s0] =	ssyncpa.u1 $0x1  }
0xd0: {  	s28 =	simm.s32 $0x9;
	[sflag:s26] =	ssyncpa.u1 $0x1  }
0xd1: {  	[sflag:s28] =	ssyncpa.u1 $0x1  }
0xd2: {  	_ =	sfence.stream.spmem  }
0xd3: {  	s29 =	simm.s32 $0x3;
	[bflag:$0x0] =	sbarrier.arrive $0xFFFF  }
0xd4: {  	s30 =	simm.s32 $0x4;
	[sflag:s29] =	ssyncpa.u1 $0x1  }
0xd5: {  	s31 =	simm.s32 $0x3C;
	s2 =	stileid.u32;
	[sflag:s30] =	ssyncpa.u1 $0x1  }
0xd6: {  	p0 =	sne.s32 s2, $0x0;
	[sflag:s31] =	ssyncpa.u1 $0x1  }
0xd7: {  	s0 =	simm.s32 @p0 $0x1;
	_ =	sfence @p0  }
0xd8: {  	[sflag:s0] =	ssyncpa.u1 @p0 $0x1;
	s0 =	simm.s32 @p0 $0x2  }
0xd9: {  	[sflag:s0] =	ssyncpa.u1 @p0 $0x1  }
0xda: {  	_ =	strace @p0 $0x9000004D  }
0xdb: {  	[bflag:$0x2] =	sbarrier.arrive @p0 $0xFFFF  }
0xdc: {  	_ =	shalt @p0  }
.LBB2_11:
0xdd: {  	_ =	sfence.stream.spmem;
	s0 =	simm.s32 $0x5  }
0xde: {  	s2 =	simm.s32 $0x80;
	s3 =	simm.s32 $0xC0;
	[sflag:s0] =	ssyncpa.u1 $0x0  }
0xdf: {  	[tilespmem:s3], [sflag:$0x5] =	stream.linear.gather [spmem:s2], $0x20, $0x38;
	[tilespmem:$0xF30] =	vst v63  }
0xe0: {  	s2 =	simm.s32 $0x0;
	s3 =	simm.s32 $0xE0  }
0xe1: {  	[tilespmem:s3], [sflag:$0x5] =	stream.linear.gather [spmem:s2], $0x20, $0x38;
	[tilespmem:$0xF30] =	vst v63  }
.Ltmp7:
0xe2: {  	_ = 	snop;
	(pc) =	sbr.rel .LBB2_12-.Ltmp7, $4  }
0xe3: {  	_ =	swait.ge [sflag:s0], $0x40  }
0xe4: {  	[sflag:s0] =	ssyncset.done $0x0  }
0xe5: {  	s31 =	simm.s32 $0x6;
	[sflag:s0] =	ssyncadd.s32 $0xFFFFFFC0  }
0xe6: {  	s4 =	simm.s32 $0x0;
	[sflag:s31] =	ssyncpa.u1 $0x0  }
.LBB2_17:
0xe7: {  	p0 =	sgt.u32 s5, $0x7F  }
0xe8: {  	s0 =	sshrl.u32 @!p0 s5, $0x3  }
0xe9: {  	s5 =	sand.u32 @!p0 $0x7, s5;
	s6 =	simm.s32 @!p0 $0xB0;
	s0 =	sadd.s32 @!p0 s1, s0  }
0xea: {  	[tilespmem:s6], [sflag:$0x6] =	stream.linear.gather @!p0 [hbm4b:s0+s5], $0x1, $0x38;
	[tilespmem:$0xF30] =	vst v63  }
0xeb: {  	s0 =	simm.s32 @!p0 $0x6  }
0xec: {  	_ =	swait.ge @!p0 [sflag:s0], $0x1  }
0xed: {  	[sflag:s0] =	ssyncset.done @!p0 $0x0  }
0xee: {  	[sflag:s0] =	ssyncadd.s32 @!p0 $0xFFFFFFFF  }
0xef: {  	v2 =	vmov @!p0 s4;
	v1 =	vld.msk @!p0 [tilespmem:$0xB0], $0x1;
	_ =	sdelay $0x3  }
0xf0: {  	s0 =	simm.s32 @!p0 $0xE0  }
0xf1: {  	[tilespmem:v2+s0+$0x0], v1 =	vst.idx.ret.add.f32.msk @!p0 $0x1, v1  }
0xf2: {  	[tilespmem:s2+$0xC0] =	vst.msk $0x1, v0  }
0xf3: {  	v0 =	vld.msk [tilespmem:s4+$0xE0], $0x1;
	_ =	sdelay $0x4  }
0xf4: {  	[tilespmem:s2+$0xE0] =	vst.msk $0x1, v0;
	s2 =	sadd.s32 $0x1, s2  }
.LBB2_19:
0xf5: {  	s4 =	sadd.s32 $0x1, s4  }
0xf6: {  	p0 =	sne.s32 s4, $0x20  }
.Ltmp8:
0xf7: {  	_ = 	snop;
	(pc) =	sbr.rel @!p0 .LBB2_20-.Ltmp8, $1  }
0xf8: {  	_ =	sdelay $0x3  }
.LBB2_12:
0xf9: {  	v0 =	vld.msk [tilespmem:s4+$0xC0], $0x1;
	_ =	sdelay $0x4  }
0xfa: {  	(v2sf) =	vpush v0, $0x0;
	_ =	sdelay $0xe  }
0xfb: {  	s5 =	spop (v2sf)  }
0xfc: {  	p0 =	seq.s32 s5, $0xFFFFFFFF  }
.Ltmp9:
0xfd: {  	_ = 	snop;
	(pc) =	sbr.rel @p0 .LBB2_19-.Ltmp9, $1  }
0xfe: {  	_ =	sdelay $0x3  }
0xff: {  	p0 =	slt.s32 s2, $0x1  }
.Ltmp10:
0x100: {  	_ = 	snop;
	(pc) =	sbr.rel @p0 .LBB2_17-.Ltmp10, $1  }
0x101: {  	_ =	sdelay $0x3  }
0x102: {  	s0 =	simm.s32 $0xC0;
	p0 =	por $0x0, $0x0  }
0x103: {  	v1 =	vld.msk @!p0 [tilespmem:s0+$0x0], $0x1;
	_ =	sdelay $0x4  }
0x104: {  	(v2sf) =	vpush @!p0 v1, $0x0;
	_ =	sdelay $0xd  }
0x105: {  	p2 =	sne.s32 s2, $0x1  }
.Ltmp11:
0x106: {  	s6 =	spop @!p0 (v2sf);
	(pc) =	sbr.rel @!p2 .LBB2_16-.Ltmp11, $4  }
0x107: {  	p1 =	seq.s32 @!p0 s5, s6  }
0x108: {  	s6 =	simm.s32 $0x0;
	p1 =	por !p1, p0  }
0x109: {  	s8 =	simm.s32 $0xFFFFFFFF;
	s6 =	simm.s32 @p1 $0xFFFFFFFF  }
0x10a: {  	s7 =	simm.s32 $0x1;
	s6 =	smov.u32 @p0 s8  }
.LBB2_15:
0x10b: {  	s8 =	smov.u32 s6;
	p0 =	sne.s32 s6, $0xFFFFFFFF  }
0x10c: {  	s0 =	sadd.s32 $0x1, s0;
	s6 =	smov.u32 s7;
	s7 =	sadd.s32 $0x1, s7  }
0x10d: {  	p1 =	sne.s32 s2, s7;
	v1 =	vld.msk @!p0 [tilespmem:s0+$0x0], $0x1;
	_ =	sdelay $0x4  }
0x10e: {  	(v2sf) =	vpush @!p0 v1, $0x0;
	_ =	sdelay $0xe  }
.Ltmp12:
0x10f: {  	s9 =	spop @!p0 (v2sf);
	(pc) =	sbr.rel @p1 .LBB2_15-.Ltmp12, $4  }
0x110: {  	p2 =	seq.s32 @!p0 s5, s9  }
0x111: {  	p2 =	por !p2, p0  }
0x112: {  	s6 =	simm.s32 @p2 $0xFFFFFFFF  }
0x113: {  	s6 =	smov.u32 @p0 s8  }
.LBB2_16:
0x114: {  	p0 =	sne.s32 s6, $0xFFFFFFFF  }
.Ltmp13:
0x115: {  	_ = 	snop;
	(pc) =	sbr.rel @!p0 .LBB2_17-.Ltmp13, $1  }
0x116: {  	_ =	sdelay $0x3  }
0x117: {  	v0 =	vld.msk [tilespmem:s4+$0xE0], $0x1;
	v1 =	vmov s6  }
.Ltmp14:
0x118: {  	_ = 	snop;
	(pc) =	sbr.rel .LBB2_19-.Ltmp14, $2  }
0x119: {  	_ =	sdelay $0x2  }
0x11a: {  	[tilespmem:v1+s3+$0x0], v0 =	vst.idx.ret.add.f32.msk $0x1, v0  }
.LBB2_20:
0x11b: {  	p0 =	slt.s32 s2, $0x1  }
.Ltmp15:
0x11c: {  	_ = 	snop;
	(pc) =	sbr.rel @p0 .LBB2_24-.Ltmp15, $3  }
0x11d: {  	_ =	sdelay $0x1  }
0x11e: {  	s0 =	simm.s32 $0x6  }
0x11f: {  	s3 =	simm.s32 $0x0;
	[sflag:s0] =	ssyncpa.u1 $0x1  }
0x120: {  	s0 =	simm.s32 $0xC0  }
0x121: {  	v0 =	vld.msk [tilespmem:s0+$0x0], $0x1;
	_ =	sdelay $0x4  }
0x122: {  	(v2sf) =	vpush v0, $0x0;
	_ =	sdelay $0xe  }
0x123: {  	s2 =	sadd.s32 $0xFFFFFFFF, s2;
	s4 =	spop (v2sf)  }
0x124: {  	p1 =	sne.s32 s2, $0x0;
	p0 =	sgt.u32 s4, $0x7F  }
.Ltmp16:
0x125: {  	s5 =	sshrl.u32 @!p0 s4, $0x3;
	(pc) =	sbr.rel @!p1 .LBB2_23-.Ltmp16, $4  }
0x126: {  	s0 =	simm.s32 $0xE0;
	s4 =	sand.u32 @!p0 $0x7, s4;
	s5 =	sadd.s32 @!p0 s1, s5  }
0x127: {  	[hbm4b:s5+s4] =	stream.linear.scatter @!p0 [tilespmem:s0], [sflag:$0x5], $0x1, $0x38;
	[tilespmem:$0xF30] =	vst v63  }
0x128: {  	s5 =	simm.s32 $0x0  }
0x129: {  	s4 =	simm.s32 $0xC1;
	s5 =	simm.s32 @!p0 $0x4  }
.LBB2_22:
0x12a: {  	v0 =	vld.msk [tilespmem:s4+$0x0], $0x1;
	s2 =	sadd.s32 $0xFFFFFFFF, s2;
	s3 =	sadd.s32 s3, s5  }
0x12b: {  	p0 =	sne.s32 s2, $0x0;
	_ =	sdelay $0x3  }
0x12c: {  	(v2sf) =	vpush v0, $0x0;
	_ =	sdelay $0xe  }
.Ltmp17:
0x12d: {  	s6 =	spop (v2sf);
	(pc) =	sbr.rel @p0 .LBB2_22-.Ltmp17, $4  }
0x12e: {  	s5 =	simm.s32 $0x0;
	p1 =	sgt.u32 s6, $0x7F  }
0x12f: {  	s0 =	sadd.s32 $0x1, s0;
	s5 =	simm.s32 @!p1 $0x4;
	s7 =	sshrl.u32 @!p1 s6, $0x3  }
0x130: {  	s4 =	sadd.s32 $0x1, s4;
	s6 =	sand.u32 @!p1 $0x7, s6;
	s7 =	sadd.s32 @!p1 s1, s7  }
0x131: {  	[hbm4b:s7+s6] =	stream.linear.scatter @!p1 [tilespmem:s0], [sflag:$0x5], $0x1, $0x38;
	[tilespmem:$0xF30] =	vst v63  }
.LBB2_23:
0x132: {  	s0 =	sadd.s32 s3, s5  }
0x133: {  	s3 =	sshrl.u32 s0, $0x2  }
.LBB2_24:
0x134: {  	s0 =	simm.s32 $0x5  }
0x135: {  	_ =	swait.ge [sflag:s0], s3  }
0x136: {  	s1 =	ssub.s32 $0x0, s3;
	[sflag:s0] =	ssyncset.done $0x0  }
0x137: {  	[sflag:s0] =	ssyncadd.s32 s1  }
0x138: {  	[sflag:s0] =	ssyncpa.u1 $0x1  }
0x139: {  	s29 =	simm.s32 $0x1;
	_ =	sfence  }
0x13a: {  	s30 =	simm.s32 $0x2;
	[sflag:s29] =	ssyncpa.u1 $0x1  }
0x13b: {  	[sflag:s30] =	ssyncpa.u1 $0x1  }
0x13c: {  	_ =	strace $0x9000004D  }
0x13d: {  	[bflag:$0x2] =	sbarrier.arrive $0xFFFF  }
0x13e: {  	s31 =	rddreg [dreg:$0x2]  }
0x13f: {  	s0 =	sadd.s32 $0x100000, s31  }
0x140: {  	[sflag:s0] =	ssyncadd.tile.s32 $0x1;
	_ =	shalt  }
.Lfunc_end2:
_tile_overlayer_lowered:
.L_overlay_start_2:
0x141: {  	(tag) =	ssettag $0x2  }
0x142: {  	s0 =	rddreg [dreg:$0x0];
	s2 =	stileid.u32  }
0x143: {  	s1 =	rddreg [dreg:$0x1];
	p0 =	sne.s32 s2, $0x0  }
0x144: {  	s3 =	rddreg [dreg:$0x2];
	[bflag:$0x3] =	sbarrier.arrive $0xFFFF;
	s2 =	simm.s32 @!p0 $0x1C01  }
0x145: {  	[timem:s3], [sflag:s2] =	dma.local @!p0 [hbm:s0], s1  }
0x146: {  	s0 =	simm.s32 @!p0 $0x1  }
0x147: {  	_ =	swait.ge @!p0 [sflag:s0], s1  }
0x148: {  	s1 =	ssub.s32 @!p0 $0x0, s1;
	[sflag:s0] =	ssyncset.done @!p0 $0x0  }
0x149: {  	[sflag:s0] =	ssyncadd.s32 @!p0 s1  }
0x14a: {  	[bflag:$0x3] =	sbarrier.arrive $0xFFFF  }
0x14b: {  	_ =	shalt  }

// kernel: scatter_offload_async_start
scs
__scs_entry_jumppad:
0x0: {  	(pc) =	sbr.rel $0x88, $3  }
0x1: {  	(tag) =	ssettag $0x0;
	lr =	simm.s32 $0x1  }
0x2: {  	[smem:$0x3F75] =	sst lr;
	_ =	strace $0xD0000000  }
0x3: {  	_ = 	snop  }
0x4: {  	_ = 	snop  }
0x5: {  	_ = 	snop  }
0x6: {  	_ = 	snop  }
0x7: {  	_ = 	snop  }
__scs_overlays_trampoline_lowered:
0x8: {  	[smem:$0x3F84] =	sst s0  }
0x9: {  	[smem:$0x3F85] =	sst s1  }
0xa: {  	[smem:$0x3F86] =	sst s2  }
0xb: {  	[smem:$0x3F87] =	sst s3  }
0xc: {  	[smem:$0x3F88] =	sst s4  }
0xd: {  	[smem:$0x3F89] =	sst s5  }
0xe: {  	[smem:$0x3F8A] =	sst s6  }
0xf: {  	[smem:$0x3F8B] =	sst s7  }
0x10: {  	[smem:$0x3F8C] =	sst s8  }
0x11: {  	[smem:$0x3F8D] =	sst s9;
	s0 =	simm.s32 @!p0 $0x0  }
0x12: {  	s1 =	sld [smem:$0x3F73];
	s0 =	simm.s32 @p0 $0x1  }
0x13: {  	[smem:$0x3F8E] =	sst s0;
	s0 =	simm.s32 @!p1 $0x0  }
0x14: {  	s2 =	sld [smem:$0x3F72];
	s0 =	simm.s32 @p1 $0x1  }
0x15: {  	[smem:$0x3F8F] =	sst s0;
	s0 =	simm.s32 @!p2 $0x0  }
0x16: {  	s3 =	sld [smem:$0x3FDB];
	s0 =	simm.s32 @p2 $0x1  }
0x17: {  	s4 =	simm.s32 $0x1BF5;
	[smem:$0x3F91] =	sst s0  }
0x18: {  	s0 =	sld [smem:$0x3F74];
	_ =	swait.ge [sflag:s4], $0x0  }
0x19: {  	s7 =	sld [smem:$0x3F75]  }
0x1a: {  	s8 =	sadd.s32 $0xFFFFE003, lr  }
0x1b: {  	s9 =	sadd.s32 $0xFFFFFEF7, lr;
	s5 =	simm.s32 $0xFFFFFFFF;
	p2 =	slt.u32 s8, $0xFFFFF086  }
0x1c: {  	p1 =	slt.u32 s9, $0xF7A;
	s5 =	simm.s32 @!p2 $0x0  }
0x1d: {  	s5 =	simm.s32 @p1 $0x1;
	p0 =	seq.s32 s7, s2  }
0x1e: {  	s7 =	smul.u32 @!p0 $0xF7A, s2;
	p2 =	seq.s32 @!p0 s5, $0x0  }
0x1f: {  	s9 =	smul.u32 $0xF7A, s1;
	s8 =	simm.s32 @!p0 $0x1BF5;
	p2 =	por !p2, p0  }
0x20: {  	[sflag:s8] =	ssyncset.s32 @!p0 $0xFFFFF086;
	s6 =	sadd.s32 @!p0 s3, s7;
	s7 =	simm.s32 @!p0 $0x108  }
0x21: {  	s3 =	sadd.s32 s3, s9;
	s6 =	sadd.s32 @!p0 $0x88, s6;
	s7 =	simm.s32 @p2 $0x1082  }
0x22: {  	[simem:s7], [sflag:s8] =	dma.local @!p0 [hbm:s6], $0xF7A  }
0x23: {  	s9 =	sor.u32 $0xD0000000, s2;
	s6 =	simm.s32 $0x108;
	_ =	swait.ge @!p0 [sflag:s8], $0x0  }
0x24: {  	s3 =	sadd.s32 $0x88, s3;
	s6 =	simm.s32 @!p1 $0x1082;
	[sflag:s4] =	ssyncset.s32 $0xFFFFF086  }
0x25: {  	[simem:s6], [sflag:s4] =	dma.local [hbm:s3], $0xF7A  }
0x26: {  	[smem:$0x3F75] =	sst s1;
	(tag) =	ssettag s2;
	_ =	strace s9  }
0x27: {  	s1 =	sld [smem:$0x3F85]  }
0x28: {  	s2 =	sld [smem:$0x3F86]  }
0x29: {  	s4 =	sld [smem:$0x3F88]  }
0x2a: {  	p0 =	seq.s32 s5, $0x0;
	s5 =	sld [smem:$0x3F89]  }
0x2b: {  	s6 =	sld [smem:$0x3F8A]  }
0x2c: {  	s7 =	sld [smem:$0x3F8B]  }
0x2d: {  	s3 =	simm.s32 $0x108;
	s8 =	sld [smem:$0x3F8C]  }
0x2e: {  	s3 =	simm.s32 @!p0 $0x1082;
	s9 =	sld [smem:$0x3F8D]  }
0x2f: {  	lr =	sadd.s32 s0, s3;
	s0 =	sld [smem:$0x3F84]  }
0x30: {  	s3 =	sld [smem:$0x3F87]  }
0x31: {  	[smem:$0x3F90] =	sst s10  }
0x32: {  	s10 =	sld [smem:$0x3F8E];
	_ =	sdelay $0x3  }
0x33: {  	p0 =	seq.s32 s10, $0x1;
	s10 =	sld [smem:$0x3F90];
	_ =	sdelay $0x3  }
0x34: {  	[smem:$0x3F90] =	sst s10  }
0x35: {  	s10 =	sld [smem:$0x3F8F];
	_ =	sdelay $0x3  }
0x36: {  	p1 =	seq.s32 s10, $0x1;
	s10 =	sld [smem:$0x3F90];
	_ =	sdelay $0x3  }
0x37: {  	[smem:$0x3F90] =	sst s10  }
0x38: {  	s10 =	sld [smem:$0x3F91]  }
0x39: {  	_ = 	snop;
	(pc) =	sbr.ind lr, $3  }
0x3a: {  	_ = 	snop  }
0x3b: {  	_ = 	snop  }
0x3c: {  	p2 =	seq.s32 s10, $0x1;
	s10 =	sld [smem:$0x3F90]  }
0x3d: {  	_ =	shalt  }
0x3e: {  	_ =	shalt  }
0x3f: {  	_ =	shalt  }
0x40: {  	_ =	shalt  }
0x41: {  	_ =	shalt  }
0x42: {  	_ =	shalt  }
0x43: {  	_ =	shalt  }
0x44: {  	_ =	shalt  }
0x45: {  	_ =	shalt  }
0x46: {  	_ =	shalt  }
0x47: {  	_ =	shalt  }
0x48: {  	_ =	shalt  }
0x49: {  	_ =	shalt  }
0x4a: {  	_ =	shalt  }
0x4b: {  	_ =	shalt  }
0x4c: {  	_ =	shalt  }
0x4d: {  	_ =	shalt  }
0x4e: {  	_ =	shalt  }
0x4f: {  	_ =	shalt  }
0x50: {  	_ =	shalt  }
0x51: {  	_ =	shalt  }
0x52: {  	_ =	shalt  }
0x53: {  	_ =	shalt  }
0x54: {  	_ =	shalt  }
0x55: {  	_ =	shalt  }
0x56: {  	_ =	shalt  }
0x57: {  	_ =	shalt  }
0x58: {  	_ =	shalt  }
0x59: {  	_ =	shalt  }
0x5a: {  	_ =	shalt  }
0x5b: {  	_ =	shalt  }
0x5c: {  	_ =	shalt  }
0x5d: {  	_ =	shalt  }
0x5e: {  	_ =	shalt  }
0x5f: {  	_ =	shalt  }
0x60: {  	_ =	shalt  }
0x61: {  	_ =	shalt  }
0x62: {  	_ =	shalt  }
0x63: {  	_ =	shalt  }
0x64: {  	_ =	shalt  }
0x65: {  	_ =	shalt  }
0x66: {  	_ =	shalt  }
0x67: {  	_ =	shalt  }
0x68: {  	_ =	shalt  }
0x69: {  	_ =	shalt  }
0x6a: {  	_ =	shalt  }
0x6b: {  	_ =	shalt  }
0x6c: {  	_ =	shalt  }
0x6d: {  	_ =	shalt  }
0x6e: {  	_ =	shalt  }
0x6f: {  	_ =	shalt  }
0x70: {  	_ =	shalt  }
0x71: {  	_ =	shalt  }
0x72: {  	_ =	shalt  }
0x73: {  	_ =	shalt  }
0x74: {  	_ =	shalt  }
0x75: {  	_ =	shalt  }
0x76: {  	_ =	shalt  }
0x77: {  	_ =	shalt  }
0x78: {  	_ =	shalt  }
0x79: {  	_ =	shalt  }
0x7a: {  	_ =	shalt  }
0x7b: {  	_ =	shalt  }
0x7c: {  	_ =	shalt  }
0x7d: {  	_ =	shalt  }
0x7e: {  	_ =	shalt  }
0x7f: {  	_ =	shalt  }
0x80: {  	_ =	shalt  }
0x81: {  	_ =	shalt  }
0x82: {  	_ =	shalt  }
0x83: {  	_ =	shalt  }
0x84: {  	_ =	shalt  }
0x85: {  	_ =	shalt  }
0x86: {  	_ =	shalt  }
0x87: {  	_ =	shalt  }
.Lfunc_end0:
.L_simem_size_0:
called_computation_lowered:
.L_overlay_start_0:
0x88: {  	s0 =	sld [smem:$0x3FD9]  }
0x89: {  	s1 =	sld [smem:$0x3FFE];
	_ =	sdelay $0x3  }
0x8a: {  	s0 =	sadd.s32 s1, s0  }
0x8b: {  	[smem:$0x3F9C] =	sst s0  }
0x8c: {  	_ = 	snop  }
0x8d: {  	(tm) =	ssettm $0x1  }
0x8e: {  	s15 =	sld [smem:$0x3FFB];
	_ =	sdelay $0x3  }
0x8f: {  	_ =	strace s15  }
0x90: {  	s0 =	sld [smem:$0x3FFC];
	_ =	sdelay $0x3  }
0x91: {  	_ =	strace s0  }
0x92: {  	s0 =	sld [smem:$0x3FFD];
	_ =	sdelay $0x3  }
0x93: {  	_ =	strace s0  }
0x94: {  	_ =	strace $0x8FFFFFFF  }
0x95: {  	s16 =	sld [smem:$0x3FDB];
	_ =	sdelay $0x1  }
0x96: {  	s17 =	simm.s32 $_scs_section_size  }
0x97: {  	s2 =	simm.s32 $_size__tile_overlayer_lowered;
	s3 =	simm.s32 $_tile_overlayer_lowered  }
0x98: {  	s20 =	simm.s32 $0x1BFF;
	s19 =	sshll.u32 s3, $0x1;
	s0 =	sadd.s32 s17, s16  }
0x99: {  	s4 =	simm.s32 $0x0;
	s18 =	sshll.u32 s2, $0x1;
	s2 =	sadd.s32 s19, s0  }
0x9a: {  	[timem:s4], [sflag:s20] =	dma.local [hbm:s2], s18  }
0x9b: {  	_ =	swait.ge [sflag:s20], s18  }
0x9c: {  	s1 =	ssub.s32 $0x0, s18;
	[sflag:s20] =	ssyncset.done $0x0  }
0x9d: {  	[sflag:s20] =	ssyncadd.s32 s1;
	_ =	sdelay $0x1  }
0x9e: {  	s21 =	simm.s32 $0x1B8B  }
0x9f: {  	_ =	swait.ge [sflag:s21], $0x1  }
0xa0: {  	[sflag:s21] =	ssyncset.done $0x0  }
0xa1: {  	s23 =	simm.s32 $0x1B8E;
	s22 =	sld [smem:$0x3FFE];
	[sflag:s21] =	ssyncadd.s32 $0xFFFFFFFF  }
0xa2: {  	s24 =	simm.s32 $execute0_lowered;
	[smem:$0x3FD2] =	sst s23  }
0xa3: {  	s2 =	sshll.u32 s24, $0x1;
	_ =	strace $0x8000004F;
	[dreg:$0x1] =	wrdreg $0xFFFFFFFF  }
0xa4: {  	s25 =	simm.s32 $_size_execute0_lowered;
	s0 =	sadd.s32 s0, s2;
	[dreg:$0x0] =	wrdreg $0x0  }
0xa5: {  	s2 =	sshll.u32 s25, $0x1;
	[dreg:$0x2] =	wrdreg s0  }
0xa6: {  	[dreg:$0x3] =	wrdreg s2  }
0xa7: {  	[dreg:$0x4] =	wrdreg $0xC0  }
0xa8: {  	_ =	task [dreg:s4], $0x5FFFF  }
0xa9: {  	[dreg:$0x1] =	wrdreg $0xFFFFFFFF  }
0xaa: {  	[dreg:$0x0] =	wrdreg $0x60  }
0xab: {  	[dreg:$0x2] =	wrdreg s22  }
0xac: {  	[dreg:$0x3] =	wrdreg $0x9  }
0xad: {  	_ =	task.clear_ibuf [dreg:s4], $0x4FFFF;
	_ =	strace $0x9000004F  }
0xae: {  	s26 =	simm.s32 $0x9;
	_ =	strace $0x80000051  }
0xaf: {  	_ =	swait.ge [sflag:s26], $0x1  }
0xb0: {  	[sflag:s26] =	ssyncadd.s32 $0xFFFFFFFF  }
0xb1: {  	_ =	strace $0x90000051  }
0xb2: {  	_ =	sfence  }
0xb3: {  	s28 =	sld [smem:$0x0];
	_ =	sdelay $0x1  }
0xb4: {  	s29 =	srdreg.scid  }
0xb5: {  	s30 =	sshll.u32 s29, $0xD;
	s31 =	sshrl.u32 s29, $0x2  }
0xb6: {  	s1 =	sand.u32 $0x1, s29;
	s2 =	sand.u32 $0x4000, s30;
	s0 =	sadd.s32 s31, s28  }
0xb7: {  	s1 =	sor.u32 s2, s1;
	s0 =	sshll.u32 s0, $0x11  }
0xb8: {  	s0 =	sor.u32 s0, s1  }
0xb9: {  	s0 =	sadd.s32 $0x8F2B, s0  }
0xba: {  	[sflag:s0] =	ssyncadd.remote.s32 $0x1  }
0xbb: {  	_ =	sfence.sel $0xFFFF  }
0xbc: {  	[dreg:$0x0] =	wrdreg $0xFFFFFFFF;
	(pc) =	sbr.abs _section_cstart, $3  }
0xbd: {  	[dreg:$0x1] =	wrdreg $0xFFFFFFFF  }
0xbe: {  	_ =	task.clear_ibuf [dreg:s4], $0x2FFFF;
	_ =	strace $0x9FFFFFFF  }
0xbf: {  	(tm) =	ssettm $0x7FFFFFFF  }
tec
execute0_lowered:
.L_overlay_start_1:
0x0: {  	(tag) =	ssettag $0x1  }
0x1: {  	s0 =	rddreg [dreg:$0x0];
	_ =	strace $0x80000050;
	s1 =	simm.s32 $0x1  }
0x2: {  	s8 =	simm.s32 $0x88;
	v0 =	vimm.s32 $0x0;
	[sflag:s1] =	ssyncpa.u1 $0x0  }
0x3: {  	[tilespmem:s8+$0x30] =	vst v0  }
0x4: {  	s1 =	sadd.s32 $0x29200, s0;
	s3 =	sadd.s32 $0x70200, s0;
	[tilespmem:s8+$0x20] =	vst v0  }
0x5: {  	s4 =	sadd.s32 $0x2000, s0;
	s5 =	sadd.s32 $0x70800, s0;
	s0 =	simm.s32 $0x40;
	[tilespmem:s8+$0x10] =	vst v0  }
.LBB2_1:
0x6: {  	s0 =	sadd.s32 $0x40, s0  }
0x7: {  	[tilespmem:s8+$0x0] =	vst v0;
	s8 =	sadd.s32 $0x40, s8;
	p0 =	slt.u32 s0, $0x5040  }
.Ltmp0:
0x8: {  	(pc) =	sbr.rel @p0 .LBB2_1-.Ltmp0, $4  }
0x9: {  	_ = 	snop  }
0xa: {  	[tilespmem:s8+$0x30] =	vst v0  }
0xb: {  	[tilespmem:s8+$0x20] =	vst v0  }
0xc: {  	[tilespmem:s8+$0x10] =	vst v0  }
0xd: {  	s9 =	stileid.u32  }
0xe: {  	s6 =	smul.u32 $0x280, s9;
	_ =	sdelay $0x1  }
0xf: {  	s0 =	smin.u32 s6, $0x2490  }
0x10: {  	s7 =	sadd.s32 $0x280, s0  }
0x11: {  	s0 =	ssub.s32 s7, s6  }
0x12: {  	p0 =	sgt.s32 s0, $0x0  }
0x13: {  	s0 =	simm.s32 @!p0 $0x0  }
0x14: {  	s29 =	simm.s32 $0x2;
	s10 =	simm.s32 $0x7;
	s2 =	smul.u32 $0xCCCD, s0  }
0x15: {  	s31 =	simm.s32 $0x8;
	s11 =	simm.s32 $0x1;
	s15 =	simm.s32 $0x0  }
0x16: {  	p1 =	por $0x0, $0x0;
	s16 =	simm.s32 $0xA;
	s2 =	sshrl.u32 s2, $0x18  }
0x17: {  	s20 =	simm.s32 $0x0;
	s17 =	simm.s32 $0x0;
	s30 =	smul.u32 $0x140, s2  }
.Ltmp1:
0x18: {  	[tilespmem:s8+$0x0] =	vst v0;
	s19 =	simm.s32 $0x0;
	[sflag:s29] =	ssyncpa.u1 $0x0;
	(pc) =	sbr.rel .LBB2_3-.Ltmp1, $4  }
0x19: {  	v0 =	vimm.s32 $0xFFFFFFFF;
	s13 =	sshll.u32 s9, $0x7;
	p0 =	sne.s32 s0, s30;
	s0 =	simm.s32 $0x1  }
0x1a: {  	[tilespmem:$0xA108] =	vst v0;
	[sflag:s10] =	ssyncpa.u1 $0x0;
	s10 =	simm.s32 $0x9;
	s0 =	simm.s32 @!p0 $0x0  }
0x1b: {  	[sflag:s31] =	ssyncpa.u1 $0x0;
	s18 =	smov.u32 s6;
	s12 =	sadd.s32 s2, s0  }
0x1c: {  	v0 =	vlaneseq.u32;
	[sflag:s10] =	ssyncpa.u1 $0x0;
	p0 =	por $0x1, $0x1;
	s14 =	sadd.s32 $0x1, s12  }
.LBB2_24:
0x1d: {  	s0 =	sshrl.u32 s29, $0x2  }
.LBB2_26:
0x1e: {  	_ =	swait.ge [sflag:s16], s0  }
0x1f: {  	s31 =	ssub.s32 $0x0, s0;
	v1 =	vmov s22;
	vm0 =	veq.s32 v0, $0x0;
	[sflag:s16] =	ssyncset.done $0x0  }
0x20: {  	vm15 =	veq.s32 v0, $0x2;
	v1 =	vsel vm0, s28, v1;
	[sflag:s16] =	ssyncadd.s32 s31  }
0x21: {  	v1 =	vsel vm15, s20, v1;
	[sflag:s16] =	ssyncpa.u1 $0x1  }
0x22: {  	[tilespmem:$0xA108] =	vst v1  }
.LBB2_27:
0x23: {  	s0 =	sadd.s32 $0x140, s18  }
0x24: {  	s2 =	smov.u32 s6;
	p2 =	slt.s32 s0, s7  }
0x25: {  	s2 =	smov.u32 @p2 s0;
	p2 =	sne.s32 s19, s14  }
.Ltmp2:
0x26: {  	_ = 	snop;
	(pc) =	sbr.rel @!p2 .LBB2_28-.Ltmp2, $4  }
0x27: {  	_ = 	snop  }
0x28: {  	s20 =	smov.u32 s17  }
0x29: {  	s31 =	sadd.s32 $0x1, s19;
	s17 =	smov.u32 s18;
	p0 =	por !p0, !p0  }
0x2a: {  	p1 =	por !p1, !p1;
	s19 =	smov.u32 s31;
	s18 =	smov.u32 s2  }
.LBB2_3:
0x2b: {  	p2 =	sge.u32 s19, s12  }
0x2c: {  	s0 =	smulhi.u32 @!p2 $0xAAAAAAAB, s19  }
0x2d: {  	s2 =	smov.u32 s18;
	p3 =	sgt.s32 @!p2 s18, $0x25D0  }
0x2e: {  	s8 =	sshra.s32 @!p2 s18, $0x1F;
	p3 =	por !p3, p2;
	s0 =	sshrl.u32 @!p2 s0, $0x1  }
0x2f: {  	s8 =	sand.u32 @!p2 s8, s18;
	s2 =	simm.s32 @p3 $0x25D0;
	s0 =	smul.u32 @!p2 $0x3, s0  }
0x30: {  	s2 =	ssub.s32 @!p2 s2, s8  }
0x31: {  	s22 =	sadd.s32 $0xFFFFFFFF, s19;
	s2 =	sadd.s32 @!p2 $0xFFFFDA30, s2;
	s0 =	ssub.s32 @!p2 s19, s0  }
0x32: {  	s8 =	sshll.u32 @!p2 s2, $0x2;
	p3 =	sgt.s32 @!p2 s2, $0x13F;
	s0 =	smul.u32 @!p2 $0x500, s0  }
0x33: {  	s21 =	sand.u32 @!p2 $0x7, s18;
	s2 =	ssub.s32 @!p2 $0x500, s8;
	p3 =	por !p3, p2  }
0x34: {  	s8 =	sshrl.u32 @!p2 s18, $0x3;
	s2 =	sshrl.u32 @!p2 s2, $0x2;
	s0 =	sshrl.u32 @!p2 s0, $0x2  }
0x35: {  	s8 =	sadd.s32 @!p2 s5, s8;
	s2 =	simm.s32 @!p3 $0x0;
	s0 =	sadd.s32 @!p2 $0xA938, s0  }
0x36: {  	[tilespmem:s0], [sflag:$0x8] =	stream.linear.gather @!p2 [hbm4b:s8+s21], s2, $0x38;
	[tilespmem:$0x1EF78] =	vst v63  }
0x37: {  	p2 =	sge.u32 s22, s12  }
0x38: {  	p3 =	sgt.s32 @!p2 s17, $0x25D0  }
0x39: {  	s0 =	smov.u32 s17;
	s2 =	sshra.s32 @!p2 s17, $0x1F;
	p3 =	por !p3, p2  }
0x3a: {  	s2 =	sand.u32 @!p2 s2, s17;
	s0 =	simm.s32 @p3 $0x25D0  }
0x3b: {  	s0 =	ssub.s32 @!p2 s0, s2  }
0x3c: {  	s0 =	sadd.s32 @!p2 $0xFFFFDA30, s0  }
0x3d: {  	s2 =	sshll.u32 @!p2 s0, $0x2  }
0x3e: {  	p3 =	sgt.s32 @!p2 s0, $0x13F;
	s0 =	ssub.s32 @!p2 $0x500, s2  }
0x3f: {  	p3 =	por !p3, p2;
	s0 =	sshrl.u32 @!p2 s0, $0x2  }
0x40: {  	s8 =	simm.s32 @!p2 $0x8;
	s2 =	sand.u32 @!p2 $0x1, s22;
	s0 =	simm.s32 @!p3 $0x0  }
0x41: {  	s2 =	smul.u32 @!p2 $0x500, s2;
	_ =	swait.ge @!p2 [sflag:s8], s0  }
0x42: {  	s21 =	ssub.s32 @!p2 $0x0, s0;
	[sflag:s8] =	ssyncset.done @!p2 $0x0  }
0x43: {  	s2 =	sshrl.u32 @!p2 s2, $0x2;
	[sflag:s8] =	ssyncadd.s32 @!p2 s21;
	s8 =	sshrl.u32 @!p2 s17, $0x3  }
0x44: {  	s2 =	sadd.s32 @!p2 $0xACF8, s2;
	s21 =	sand.u32 @!p2 $0x7, s17;
	s8 =	sadd.s32 @!p2 s3, s8  }
0x45: {  	[tilespmem:s2], [sflag:$0x9] =	stream.linear.gather @!p2 [hbm4b:s8+s21], s0, $0x38;
	[tilespmem:$0x1EF78] =	vst v63  }
0x46: {  	s21 =	ssub.s32 @!p2 $0x2710, s17  }
0x47: {  	p3 =	slt.s32 @!p2 s21, $0x1  }
0x48: {  	p3 =	por p2, p3  }
.Ltmp3:
0x49: {  	_ = 	snop;
	(pc) =	sbr.rel @p3 .LBB2_9-.Ltmp3, $1  }
0x4a: {  	_ =	sdelay $0x3  }
0x4b: {  	s0 =	smulhi.u32 $0xAAAAAAAB, s22;
	_ =	sdelay $0x1  }
0x4c: {  	s0 =	sshrl.u32 s0, $0x1  }
0x4d: {  	s0 =	smul.u32 $0x3, s0;
	_ =	sdelay $0x1  }
0x4e: {  	s0 =	ssub.s32 s22, s0  }
0x4f: {  	s2 =	simm.s32 $0x1;
	s0 =	smul.u32 $0x500, s0  }
.Ltmp4:
0x50: {  	s2 =	simm.s32 @!p0 $0x0;
	(pc) =	sbr.rel .LBB2_6-.Ltmp4, $4  }
0x51: {  	s2 =	smul.u32 $0x28000, s2  }
0x52: {  	p3 =	slt.s32 @!p2 s21, $0x140;
	s0 =	sshrl.u32 s0, $0x2  }
0x53: {  	p2 =	por !p3, p2;
	s2 =	sshrl.u32 s2, $0x2;
	s0 =	sadd.s32 $0xA938, s0  }
0x54: {  	s23 =	simm.s32 $0x0;
	s21 =	simm.s32 @p2 $0x140;
	s22 =	sadd.s32 $0xAF78, s2;
	v1 =	vmov s0  }
.LBB2_5:
0x55: {  	p2 =	sge.s32 s23, s21  }
.Ltmp5:
0x56: {  	_ = 	snop;
	(pc) =	sbr.rel @p2 .LBB2_9-.Ltmp5, $2  }
0x57: {  	_ =	sdelay $0x2  }
0x58: {  	s22 =	sadd.s32 $0x800, s22  }
.LBB2_6:
0x59: {  	p2 =	sle.s32 s21, s23  }
.Ltmp6:
0x5a: {  	_ = 	snop;
	(pc) =	sbr.rel @p2 .LBB2_5-.Ltmp6, $2  }
0x5b: {  	_ =	sdelay $0x2  }
0x5c: {  	s24 =	smov.u32 s23;
	s23 =	sadd.s32 $0x10, s23  }
0x5d: {  	s0 =	ssub.s32 s21, s24  }
0x5e: {  	p2 =	slt.s32 s0, $0x10  }
0x5f: {  	s0 =	simm.s32 @!p2 $0x10  }
0x60: {  	v2 =	vmov s0  }
0x61: {  	vm0 =	vgt.s32 v2, v0;
	_ =	sdelay $0x5  }
0x62: {  	v2 =	vld.idx.msk [tilespmem:v1+s24+$0x0 ss:$0x1], vm0;
	_ =	sdelay $0x2  }
0x63: {  	p2 =	slt.s32 s23, s21;
	s0 =	smov.u32 s21  }
0x64: {  	s2 =	smov.u32 s22;
	s25 =	simm.s32 $0x0;
	s0 =	smov.u32 @p2 s23  }
.LBB2_8:
0x65: {  	(v2sf) =	vpush v2, s25;
	_ =	sdelay $0xc  }
0x66: {  	s25 =	sadd.s32 $0x1, s25  }
0x67: {  	s31 =	sadd.s32 s25, s24  }
0x68: {  	p2 =	slt.s32 s31, s0;
	s8 =	spop (v2sf)  }
.Ltmp7:
0x69: {  	s8 =	sshll.u32 s8, $0x4;
	(pc) =	sbr.rel @p2 .LBB2_8-.Ltmp7, $4  }
0x6a: {  	s8 =	sand.u32 $0x1FFFFFF0, s8  }
0x6b: {  	s8 =	sadd.s32 s4, s8  }
0x6c: {  	[tilespmem:s2], [sflag:$0x7] =	stream.linear.gather [hbm4b:s8+s15], $0x40, $0x38;
	[tilespmem:$0x1EF78] =	vst v63  }
0x6d: {  	s2 =	sadd.s32 $0x80, s2  }
.Ltmp8:
0x6e: {  	_ = 	snop;
	(pc) =	sbr.rel .LBB2_5-.Ltmp8, $1  }
0x6f: {  	_ =	sdelay $0x3  }
.LBB2_9:
0x70: {  	p2 =	slt.u32 s19, $0x2  }
.Ltmp9:
0x71: {  	_ = 	snop;
	(pc) =	sbr.rel @p2 .LBB2_27-.Ltmp9, $1  }
0x72: {  	_ =	sdelay $0x3  }
0x73: {  	p2 =	sgt.s32 s20, $0x25D0;
	s0 =	smov.u32 s20  }
0x74: {  	s2 =	sshra.s32 s20, $0x1F;
	s8 =	ssub.s32 $0x2710, s20;
	s0 =	simm.s32 @!p2 $0x25D0  }
0x75: {  	s2 =	sand.u32 s2, s20;
	p2 =	slt.s32 s8, $0x140;
	s21 =	smov.u32 s8  }
0x76: {  	s0 =	ssub.s32 s0, s2;
	s21 =	simm.s32 @!p2 $0x140  }
0x77: {  	s0 =	sadd.s32 $0xFFFFDA30, s0;
	s26 =	sshll.u32 s21, $0x6  }
0x78: {  	s9 =	simm.s32 $0x7;
	s29 =	sshll.u32 s0, $0x2;
	s2 =	sand.u32 $0x3FFFFFC0, s26  }
0x79: {  	p2 =	sgt.s32 s0, $0x13F;
	s30 =	ssub.s32 $0x500, s29;
	_ =	swait.ge [sflag:s9], s2  }
0x7a: {  	s2 =	ssub.s32 $0x0, s2;
	[sflag:s9] =	ssyncset.done $0x0;
	s0 =	sshrl.u32 s30, $0x2  }
0x7b: {  	[sflag:s9] =	ssyncadd.s32 s2;
	s0 =	simm.s32 @p2 $0x0  }
0x7c: {  	_ =	swait.ge [sflag:s10], s0  }
0x7d: {  	s0 =	ssub.s32 $0x0, s0;
	[sflag:s10] =	ssyncset.done $0x0  }
0x7e: {  	[sflag:s10] =	ssyncadd.s32 s0  }
0x7f: {  	v1 =	vld [tilespmem:$0xA108];
	_ =	sdelay $0x4  }
0x80: {  	(v2sf) =	vpush v1, $0x0  }
0x81: {  	(v2sf) =	vpush v1, $0x1  }
0x82: {  	(v2sf) =	vpush v1, $0x2;
	_ =	sdelay $0x3  }
0x83: {  	s0 =	sadd.s32 $0x140, s20  }
0x84: {  	p2 =	slt.s32 s7, s0  }
0x85: {  	s0 =	smov.u32 @p2 s7;
	p2 =	sgt.s32 s8, $0x0  }
0x86: {  	s24 =	ssub.s32 s0, s20;
	s8 =	simm.s32 @!p2 $0x0  }
0x87: {  	p2 =	slt.s32 s8, s24  }
0x88: {  	s24 =	smov.u32 @p2 s8  }
0x89: {  	s23 =	simm.s32 $0x1;
	p2 =	slt.s32 s24, $0x1  }
.Ltmp10:
0x8a: {  	s23 =	simm.s32 @!p1 $0x0;
	(pc) =	sbr.rel @p2 .LBB2_14-.Ltmp10, $4  }
0x8b: {  	s31 =	smul.u32 $0x500, s23  }
0x8c: {  	s25 =	spop (v2sf)  }
0x8d: {  	s0 =	sshrl.u32 s31, $0x2;
	s28 =	spop (v2sf)  }
0x8e: {  	s21 =	sadd.s32 $0xACF8, s0;
	s20 =	spop (v2sf)  }
0x8f: {  	s0 =	smin.u32 s24, $0x10  }
0x90: {  	v1 =	vmov s0  }
0x91: {  	p3 =	sgt.s32 s24, $0x10;
	vm1 =	vgt.u32 v1, v0  }
.Ltmp11:
0x92: {  	_ = 	snop;
	(pc) =	sbr.rel @!p3 .LBB2_13-.Ltmp11, $2  }
0x93: {  	_ =	sdelay $0x2  }
0x94: {  	s26 =	simm.s32 $0x10;
	s29 =	sadd.s32 $0xFFFFFFF0, s24;
	s22 =	smov.u32 s21;
	vm0 =	vmmov vm1  }
.LBB2_12:
0x95: {  	s0 =	smin.u32 s29, $0x10;
	s26 =	sadd.s32 $0x10, s26;
	v1 =	vld.msk [tilespmem:s22+$0x0 ss:$0x1], vm1  }
0x96: {  	v2 =	vmov s0;
	p3 =	slt.s32 s26, s24  }
0x97: {  	vm1 =	vgt.u32 v2, v0  }
.Ltmp12:
0x98: {  	(pc) =	sbr.rel @p3 .LBB2_12-.Ltmp12, $3  }
0x99: {  	_ =	sdelay $0x1  }
0x9a: {  	v1 =	vshll.u32 v1, $0x4  }
0x9b: {  	s29 =	sadd.s32 $0xFFFFFFF0, s29;
	[tilespmem:s22+$0x0] =	vst.msk vm0, v1;
	s22 =	sadd.s32 $0x10, s22;
	vm0 =	vmmov vm1  }
.LBB2_13:
0x9c: {  	_ =	sdelay $0x4  }
0x9d: {  	v1 =	vld.msk [tilespmem:s22+$0x0 ss:$0x1], vm1;
	_ =	sdelay $0x4  }
0x9e: {  	v1 =	vshll.u32 v1, $0x4  }
0x9f: {  	[tilespmem:s22+$0x0] =	vst.msk vm0, v1  }
.LBB2_14:
0xa0: {  	s0 =	sand.u32 $0x1, s19  }
0xa1: {  	s0 =	smul.u32 $0x140, s0  }
0xa2: {  	p3 =	sne.s32 s28, $0xFFFFFFFF  }
0xa3: {  	v1 =	vld.msk @!p3 [tilespmem:s0+$0xACF8], $0x1;
	_ =	sdelay $0x4  }
0xa4: {  	(v2sf) =	vpush @!p3 v1, $0x0;
	_ =	sdelay $0xc  }
.Ltmp13:
0xa5: {  	_ = 	snop;
	(pc) =	sbr.rel @p2 .LBB2_25-.Ltmp13, $4  }
0xa6: {  	_ = 	snop  }
0xa7: {  	s26 =	spop @!p3 (v2sf)  }
0xa8: {  	s20 =	simm.s32 @!p3 $0x0;
	s22 =	smov.u32 s26  }
0xa9: {  	[sflag:s16] =	ssyncpa.u1 $0x0;
	s26 =	smov.u32 @p3 s25;
	s22 =	smov.u32 @p3 s28  }
0xaa: {  	v1 =	vld.msk [tilespmem:s21+$0x0], $0x1;
	_ =	sdelay $0x4  }
0xab: {  	(v2sf) =	vpush v1, $0x0;
	_ =	sdelay $0xe  }
0xac: {  	s0 =	smul.u32 $0x28000, s23;
	s30 =	spop (v2sf)  }
0xad: {  	s24 =	ssub.s32 $0x0, s24;
	p2 =	seq.s32 s26, s30  }
0xae: {  	s28 =	sadd.s32 $0x1, s24;
	s0 =	sshrl.u32 s0, $0x2;
	p3 =	sgt.s32 @!p2 s26, $0x0  }
0xaf: {  	s23 =	sadd.s32 $0xAF98, s0;
	s0 =	smov.u32 s26;
	p3 =	por !p3, p2  }
0xb0: {  	s0 =	simm.s32 @p3 $0x0;
	p3 =	seq.s32 s28, $0x0  }
.Ltmp14:
0xb1: {  	_ = 	snop;
	(pc) =	sbr.rel @p3 .LBB2_17-.Ltmp14, $4  }
0xb2: {  	_ = 	snop  }
0xb3: {  	s25 =	simm.s32 $0x0;
	s31 =	simm.s32 @!p2 $0x1;
	s2 =	smin.u32 @!p2 s0, $0x3F8  }
0xb4: {  	s29 =	sadd.s32 $0x1, s21;
	s31 =	smov.u32 @p2 s25;
	s8 =	sand.u32 @!p2 $0x3F8, s2  }
0xb5: {  	s0 =	simm.s32 @!p2 $0x50C8;
	s2 =	sand.u32 @!p2 $0x7, s2;
	s8 =	sadd.s32 @!p2 s1, s8  }
.LBB2_16:
0xb6: {  	s9 =	smov.u32 s31  }
0xb7: {  	[tilespmem:s0], [sflag:$0x2] =	stream.linear.gather @!p2 [hbm4b:s8+s2], $0x40, $0x38;
	[tilespmem:$0x1EF78] =	vst v63  }
0xb8: {  	s28 =	sadd.s32 $0x1, s28;
	s2 =	smov.u32 s30;
	v1 =	vld.msk [tilespmem:s29+$0x0], $0x1  }
0xb9: {  	p3 =	seq.s32 s28, $0x0;
	_ =	sdelay $0x3  }
0xba: {  	(v2sf) =	vpush v1, $0x0;
	_ =	sdelay $0xe  }
0xbb: {  	s30 =	spop (v2sf)  }
0xbc: {  	p2 =	seq.s32 s2, s30  }
0xbd: {  	p4 =	sgt.s32 @!p2 s2, $0x0;
	s0 =	sshll.u32 @!p2 s31, $0x8;
	s31 =	sadd.s32 @!p2 $0x1, s31  }
.Ltmp15:
0xbe: {  	p4 =	por !p4, p2;
	s0 =	sshra.s32 @!p2 s0, $0x2;
	(pc) =	sbr.rel @!p3 .LBB2_16-.Ltmp15, $4  }
0xbf: {  	s31 =	smov.u32 @p2 s9;
	s2 =	simm.s32 @p4 $0x0;
	s0 =	sadd.s32 @!p2 $0x50C8, s0  }
0xc0: {  	s2 =	smin.u32 @!p2 s2, $0x3F8  }
0xc1: {  	s8 =	sand.u32 @!p2 $0x3F8, s2;
	s2 =	sand.u32 @!p2 $0x7, s2  }
0xc2: {  	s29 =	sadd.s32 $0x1, s29;
	s8 =	sadd.s32 @!p2 s1, s8  }
.LBB2_17:
0xc3: {  	[tilespmem:s0], [sflag:$0x2] =	stream.linear.gather @!p2 [hbm4b:s8+s2], $0x40, $0x38;
	[tilespmem:$0x1EF78] =	vst v63  }
.Ltmp16:
0xc4: {  	s30 =	sshll.u32 s31, $0x6;
	(pc) =	sbr.rel .LBB2_18-.Ltmp16, $4  }
0xc5: {  	s31 =	simm.s32 $0x2;
	s0 =	sand.u32 $0x3FFFFFC0, s30  }
0xc6: {  	_ =	swait.ge [sflag:s31], s0  }
0xc7: {  	s0 =	ssub.s32 $0x0, s0;
	[sflag:s31] =	ssyncset.done $0x0  }
0xc8: {  	s29 =	simm.s32 $0x0;
	[sflag:s31] =	ssyncadd.s32 s0  }
.LBB2_19:
0xc9: {  	v1 =	vld [tilespmem:s23+$0xFFFFFFE0];
	_ =	sdelay $0x4  }
0xca: {  	[tilespmem:s30+$0x88] =	vst.add.f32.msk $0xffff, v1  }
0xcb: {  	v1 =	vld [tilespmem:s23+$0xFFFFFFF0];
	_ =	sdelay $0x4  }
0xcc: {  	[tilespmem:s30+$0x98] =	vst.add.f32.msk $0xffff, v1  }
0xcd: {  	v1 =	vld [tilespmem:s23+$0x0];
	_ =	sdelay $0x4  }
0xce: {  	[tilespmem:s30+$0xA8] =	vst.add.f32.msk $0xffff, v1  }
0xcf: {  	v1 =	vld [tilespmem:s23+$0x10];
	_ =	sdelay $0x4  }
0xd0: {  	[tilespmem:s30+$0xB8] =	vst.add.f32.msk $0xffff, v1  }
.LBB2_23:
0xd1: {  	s24 =	sadd.s32 $0x1, s24  }
0xd2: {  	p2 =	seq.s32 s24, $0x0  }
.Ltmp17:
0xd3: {  	_ = 	snop;
	(pc) =	sbr.rel @p2 .LBB2_24-.Ltmp17, $2  }
0xd4: {  	_ =	sdelay $0x2  }
0xd5: {  	s23 =	sadd.s32 $0x80, s23;
	s21 =	sadd.s32 $0x1, s21;
	s26 =	smov.u32 s28  }
.LBB2_18:
0xd6: {  	v1 =	vld.msk [tilespmem:s21+$0x0], $0x1;
	_ =	sdelay $0x4  }
0xd7: {  	(v2sf) =	vpush v1, $0x0;
	_ =	sdelay $0xe  }
0xd8: {  	s28 =	spop (v2sf)  }
0xd9: {  	p2 =	sne.s32 s26, s28  }
.Ltmp18:
0xda: {  	_ = 	snop;
	(pc) =	sbr.rel @!p2 .LBB2_19-.Ltmp18, $3  }
0xdb: {  	_ =	sdelay $0x1  }
0xdc: {  	s0 =	sshll.u32 s20, $0x8  }
0xdd: {  	s30 =	sshra.s32 s0, $0x2  }
0xde: {  	p2 =	seq.s32 s26, s22  }
.Ltmp19:
0xdf: {  	_ = 	snop;
	(pc) =	sbr.rel @!p2 .LBB2_21-.Ltmp19, $1  }
0xe0: {  	_ =	sdelay $0x3  }
.Ltmp20:
0xe1: {  	s0 =	sadd.s32 $0x88, s30;
	(pc) =	sbr.rel .LBB2_22-.Ltmp20, $4  }
0xe2: {  	[spmem:s13] =	stream.linear.scatter [tilespmem:s0], [sflag:$0x1], $0x40, $0x38;
	[tilespmem:$0x1EF78] =	vst v63  }
0xe3: {  	_ =	swait.ge [sflag:s11], $0x40  }
0xe4: {  	[sflag:s11] =	ssyncset.done $0x0  }
0xe5: {  	[sflag:s11] =	ssyncadd.s32 $0xFFFFFFC0  }
.LBB2_21:
0xe6: {  	s0 =	sshll.u32 s25, $0x8  }
0xe7: {  	s0 =	sshra.s32 s0, $0x2  }
0xe8: {  	v1 =	vld [tilespmem:s0+$0x50C8];
	_ =	sdelay $0x4  }
0xe9: {  	[tilespmem:s30+$0x88] =	vst.add.f32.msk $0xffff, v1  }
0xea: {  	v1 =	vld [tilespmem:s0+$0x50D8];
	_ =	sdelay $0x4  }
0xeb: {  	[tilespmem:s30+$0x98] =	vst.add.f32.msk $0xffff, v1  }
0xec: {  	v1 =	vld [tilespmem:s0+$0x50E8];
	_ =	sdelay $0x4  }
0xed: {  	[tilespmem:s30+$0xA8] =	vst.add.f32.msk $0xffff, v1  }
0xee: {  	v1 =	vld [tilespmem:s0+$0x50F8];
	_ =	sdelay $0x2  }
0xef: {  	p2 =	sgt.u32 s26, $0x3F8  }
0xf0: {  	s0 =	sand.u32 @!p2 $0x3F8, s26  }
0xf1: {  	s2 =	sadd.s32 $0x88, s30;
	s8 =	sand.u32 @!p2 $0x7, s26;
	s0 =	sadd.s32 @!p2 s1, s0;
	[tilespmem:s30+$0xB8] =	vst.add.f32.msk $0xffff, v1  }
0xf2: {  	[hbm4b:s0+s8] =	stream.linear.scatter @!p2 [tilespmem:s2], [sflag:$0xA], $0x40, $0x38;
	[tilespmem:$0x1EF78] =	vst v63  }
0xf3: {  	s0 =	simm.s32 $0x0  }
0xf4: {  	s0 =	simm.s32 @!p2 $0x100  }
0xf5: {  	s29 =	sadd.s32 s0, s29  }
.LBB2_22:
0xf6: {  	s0 =	sadd.s32 $0x1, s20  }
0xf7: {  	s2 =	smulhi.u32 $0xCCCCCCCD, s0;
	_ =	sdelay $0x1  }
0xf8: {  	v1 =	vld [tilespmem:s23+$0xFFFFFFE0];
	s2 =	sshrl.u32 s2, $0x8  }
0xf9: {  	s2 =	smul.u32 $0x140, s2;
	_ =	sdelay $0x1  }
0xfa: {  	s20 =	ssub.s32 s0, s2  }
0xfb: {  	s0 =	sshll.u32 s20, $0x6  }
0xfc: {  	[tilespmem:s0+$0x88] =	vst v1  }
0xfd: {  	v1 =	vld [tilespmem:s23+$0xFFFFFFF0];
	_ =	sdelay $0x4  }
0xfe: {  	[tilespmem:s0+$0x98] =	vst v1  }
0xff: {  	v1 =	vld [tilespmem:s23+$0x0];
	_ =	sdelay $0x4  }
0x100: {  	[tilespmem:s0+$0xA8] =	vst v1  }
0x101: {  	v1 =	vld [tilespmem:s23+$0x10]  }
.Ltmp21:
0x102: {  	_ = 	snop;
	(pc) =	sbr.rel .LBB2_23-.Ltmp21, $2  }
0x103: {  	_ =	sdelay $0x2  }
0x104: {  	s25 =	sadd.s32 $0x1, s25;
	[tilespmem:s0+$0xB8] =	vst v1  }
.LBB2_25:
.Ltmp22:
0x105: {  	(pc) =	sbr.rel .LBB2_26-.Ltmp22, $4  }
0x106: {  	_ = 	snop  }
0x107: {  	s0 =	simm.s32 $0x2  }
0x108: {  	_ =	swait.ge [sflag:s0], $0x0  }
0x109: {  	s28 =	smov.u32 s26;
	[sflag:s0] =	ssyncset.done $0x0;
	s0 =	simm.s32 $0x0  }
.LBB2_28:
0x10a: {  	_ =	sfence.sel $0x180000  }
0x10b: {  	s0 =	simm.s32 $0x7;
	[bflag:$0x0] =	sbarrier.arrive $0xFFFF  }
0x10c: {  	s25 =	simm.s32 $0x8;
	[sflag:s0] =	ssyncpa.u1 $0x1  }
0x10d: {  	s26 =	simm.s32 $0x9;
	[sflag:s25] =	ssyncpa.u1 $0x1  }
0x10e: {  	s28 =	simm.s32 $0x2;
	[sflag:s26] =	ssyncpa.u1 $0x1  }
0x10f: {  	[sflag:s28] =	ssyncpa.u1 $0x1  }
0x110: {  	v0 =	vld [tilespmem:$0xA108];
	_ =	sdelay $0x4  }
0x111: {  	(v2sf) =	vpush v0, $0x0  }
0x112: {  	(v2sf) =	vpush v0, $0x1;
	_ =	sdelay $0x1  }
0x113: {  	(v2sf) =	vpush v0, $0x2;
	_ =	sdelay $0xb  }
0x114: {  	s0 =	spop (v2sf)  }
0x115: {  	s2 =	spop (v2sf)  }
0x116: {  	s3 =	smov.u32 s0;
	p0 =	sne.s32 s0, s2  }
0x117: {  	s4 =	spop (v2sf);
	s3 =	simm.s32 @!p0 $0xFFFFFFFF  }
0x118: {  	v2 =	vimm.s32 $0x1;
	v3 =	vlaneseq.u32;
	p0 =	seq.s32 s4, $0xFFFFFFFF;
	v1 =	vmov s3  }
0x119: {  	s7 =	stileid.u32;
	v0 =	vperm.xlane v0, v2;
	p1 =	sne.s32 @!p0 s0, s2;
	v1 =	vperm.xlane v1, v3  }
0x11a: {  	vm0 =	vcmask $0x3F04;
	s6 =	simm.s32 $0xA108;
	s0 =	simm.s32 @!p0 $0x1;
	p1 =	por !p1, p0  }
0x11b: {  	s3 =	sshll.u32 s7, $0x1;
	s2 =	sshll.u32 @!p0 s4, $0x8;
	s0 =	simm.s32 @p1 $0x0;
	v0 =	vsel vm0, v1, v0  }
0x11c: {  	s5 =	sor.u32 $0x800, s3;
	s2 =	sshra.s32 @!p0 s2, $0x2;
	s0 =	sor.u32 @!p0 s0, s3;
	[tilespmem:$0xA108] =	vst v0  }
0x11d: {  	[spmem:s5] =	stream.linear.scatter [tilespmem:s6], [sflag:$0x1], $0x2, $0x38;
	[tilespmem:$0x1EF78] =	vst v63  }
0x11e: {  	s2 =	sadd.s32 @!p0 $0x88, s2;
	s0 =	sshll.u32 @!p0 s0, $0x6  }
0x11f: {  	[spmem:s0] =	stream.linear.scatter @!p0 [tilespmem:s2], [sflag:$0x1], $0x40, $0x38;
	[tilespmem:$0x1EF78] =	vst v63  }
0x120: {  	s2 =	simm.s32 @!p0 $0x42  }
0x121: {  	s0 =	simm.s32 $0x1;
	s2 =	simm.s32 @p0 $0x2  }
0x122: {  	_ =	swait.ge [sflag:s0], s2  }
0x123: {  	s2 =	ssub.s32 $0x0, s2;
	[sflag:s0] =	ssyncset.done $0x0  }
0x124: {  	[sflag:s0] =	ssyncadd.s32 s2  }
0x125: {  	_ =	sfence.stream.spmem  }
0x126: {  	s29 =	simm.s32 $0x3;
	[bflag:$0x0] =	sbarrier.arrive $0xFFFF  }
0x127: {  	s30 =	simm.s32 $0x4;
	[sflag:s29] =	ssyncpa.u1 $0x1  }
0x128: {  	s31 =	simm.s32 $0x3C;
	[sflag:s30] =	ssyncpa.u1 $0x1  }
0x129: {  	p0 =	sne.s32 s7, $0x0;
	[sflag:s31] =	ssyncpa.u1 $0x1  }
0x12a: {  	_ =	sfence @p0  }
0x12b: {  	[sflag:s0] =	ssyncpa.u1 @p0 $0x1  }
0x12c: {  	_ =	strace @p0 $0x90000050  }
0x12d: {  	[bflag:$0x2] =	sbarrier.arrive @p0 $0xFFFF  }
0x12e: {  	_ =	shalt @p0  }
.LBB2_29:
0x12f: {  	_ =	sfence.stream.spmem;
	s0 =	simm.s32 $0x5  }
0x130: {  	s2 =	simm.s32 $0x800;
	s3 =	simm.s32 $0xA118;
	[sflag:s0] =	ssyncpa.u1 $0x0  }
0x131: {  	[tilespmem:s3], [sflag:$0x5] =	stream.linear.gather [spmem:s2], $0x20, $0x38;
	[tilespmem:$0x1EF78] =	vst v63  }
0x132: {  	s30 =	simm.s32 $0xA138;
	s2 =	simm.s32 $0x0  }
0x133: {  	[tilespmem:s30], [sflag:$0x5] =	stream.linear.gather [spmem:s2], $0x800, $0x38;
	[tilespmem:$0x1EF78] =	vst v63  }
.Ltmp23:
0x134: {  	_ = 	snop;
	(pc) =	sbr.rel .LBB2_30-.Ltmp23, $4  }
0x135: {  	_ =	swait.ge [sflag:s0], $0x820  }
0x136: {  	[sflag:s0] =	ssyncset.done $0x0  }
0x137: {  	s31 =	simm.s32 $0x6;
	[sflag:s0] =	ssyncadd.s32 $0xFFFFF7E0  }
0x138: {  	s3 =	simm.s32 $0x0;
	[sflag:s31] =	ssyncpa.u1 $0x0  }
.LBB2_36:
0x139: {  	p0 =	slt.u32 s4, $0x3F9  }
0x13a: {  	s0 =	sand.u32 @p0 $0x3F8, s4  }
0x13b: {  	s4 =	sand.u32 @p0 $0x7, s4;
	s5 =	simm.s32 @p0 $0xA0C8;
	s0 =	sadd.s32 @p0 s1, s0  }
0x13c: {  	[tilespmem:s5], [sflag:$0x6] =	stream.linear.gather @p0 [hbm4b:s0+s4], $0x40, $0x38;
	[tilespmem:$0x1EF78] =	vst v63  }
0x13d: {  	s0 =	simm.s32 @p0 $0x6  }
0x13e: {  	_ =	swait.ge @p0 [sflag:s0], $0x40  }
0x13f: {  	[sflag:s0] =	ssyncset.done @p0 $0x0  }
0x140: {  	[sflag:s0] =	ssyncadd.s32 @p0 $0xFFFFFFC0  }
0x141: {  	v1 =	vld @p0 [tilespmem:$0xA0C8];
	_ =	sdelay $0x2  }
0x142: {  	s0 =	sshll.u32 @p0 s3, $0x8  }
0x143: {  	s4 =	sshrl.u32 @p0 s0, $0x2  }
0x144: {  	[tilespmem:s4+$0xA138] =	vst.add.f32.msk @p0 $0xffff, v1  }
0x145: {  	v1 =	vld @p0 [tilespmem:$0xA0D8];
	_ =	sdelay $0x4  }
0x146: {  	[tilespmem:s4+$0xA148] =	vst.add.f32.msk @p0 $0xffff, v1  }
0x147: {  	v1 =	vld @p0 [tilespmem:$0xA0E8];
	_ =	sdelay $0x4  }
0x148: {  	[tilespmem:s4+$0xA158] =	vst.add.f32.msk @p0 $0xffff, v1  }
0x149: {  	v1 =	vld @p0 [tilespmem:$0xA0F8];
	_ =	sdelay $0x3  }
0x14a: {  	s5 =	sshll.u32 @!p0 s3, $0x8  }
0x14b: {  	s5 =	smov.u32 @p0 s0;
	[tilespmem:s4+$0xA168] =	vst.add.f32.msk @p0 $0xffff, v1  }
0x14c: {  	s0 =	sshrl.u32 s5, $0x2;
	[tilespmem:s2+$0xA118] =	vst.msk $0x1, v0  }
0x14d: {  	v0 =	vld [tilespmem:s0+$0xA138];
	_ =	sdelay $0x2  }
0x14e: {  	s31 =	sshll.u32 s2, $0x8  }
0x14f: {  	s4 =	sshra.s32 s31, $0x2  }
0x150: {  	[tilespmem:s4+$0xA138] =	vst v0  }
0x151: {  	v0 =	vld [tilespmem:s0+$0xA148];
	_ =	sdelay $0x4  }
0x152: {  	[tilespmem:s4+$0xA148] =	vst v0  }
0x153: {  	v0 =	vld [tilespmem:s0+$0xA158];
	_ =	sdelay $0x4  }
0x154: {  	[tilespmem:s4+$0xA158] =	vst v0  }
0x155: {  	v0 =	vld [tilespmem:s0+$0xA168];
	_ =	sdelay $0x4  }
0x156: {  	s2 =	sadd.s32 $0x1, s2;
	[tilespmem:s4+$0xA168] =	vst v0  }
.LBB2_37:
0x157: {  	s3 =	sadd.s32 $0x1, s3  }
0x158: {  	p0 =	sne.s32 s3, $0x20  }
.Ltmp24:
0x159: {  	_ = 	snop;
	(pc) =	sbr.rel @!p0 .LBB2_38-.Ltmp24, $1  }
0x15a: {  	_ =	sdelay $0x3  }
.LBB2_30:
0x15b: {  	v0 =	vld.msk [tilespmem:s3+$0xA118], $0x1;
	_ =	sdelay $0x4  }
0x15c: {  	(v2sf) =	vpush v0, $0x0;
	_ =	sdelay $0xe  }
0x15d: {  	s4 =	spop (v2sf)  }
0x15e: {  	p0 =	seq.s32 s4, $0xFFFFFFFF  }
.Ltmp25:
0x15f: {  	_ = 	snop;
	(pc) =	sbr.rel @p0 .LBB2_37-.Ltmp25, $1  }
0x160: {  	_ =	sdelay $0x3  }
0x161: {  	p0 =	slt.s32 s2, $0x1  }
.Ltmp26:
0x162: {  	_ = 	snop;
	(pc) =	sbr.rel @p0 .LBB2_36-.Ltmp26, $1  }
0x163: {  	_ =	sdelay $0x3  }
0x164: {  	s5 =	simm.s32 $0xA118;
	p0 =	por $0x0, $0x0  }
0x165: {  	v1 =	vld.msk @!p0 [tilespmem:s5+$0x0], $0x1;
	_ =	sdelay $0x4  }
0x166: {  	(v2sf) =	vpush @!p0 v1, $0x0;
	_ =	sdelay $0xd  }
0x167: {  	p2 =	sne.s32 s2, $0x1  }
.Ltmp27:
0x168: {  	s0 =	spop @!p0 (v2sf);
	(pc) =	sbr.rel @!p2 .LBB2_34-.Ltmp27, $4  }
0x169: {  	p1 =	seq.s32 @!p0 s4, s0  }
0x16a: {  	s6 =	simm.s32 $0x0;
	p1 =	por !p1, p0  }
0x16b: {  	s0 =	simm.s32 $0xFFFFFFFF;
	s6 =	simm.s32 @p1 $0xFFFFFFFF  }
0x16c: {  	s7 =	simm.s32 $0x1;
	s6 =	smov.u32 @p0 s0  }
.LBB2_33:
0x16d: {  	s0 =	smov.u32 s6;
	p0 =	sne.s32 s6, $0xFFFFFFFF  }
0x16e: {  	s5 =	sadd.s32 $0x1, s5;
	s6 =	smov.u32 s7;
	s7 =	sadd.s32 $0x1, s7  }
0x16f: {  	p1 =	sne.s32 s2, s7;
	v1 =	vld.msk @!p0 [tilespmem:s5+$0x0], $0x1;
	_ =	sdelay $0x4  }
0x170: {  	(v2sf) =	vpush @!p0 v1, $0x0;
	_ =	sdelay $0xe  }
.Ltmp28:
0x171: {  	s8 =	spop @!p0 (v2sf);
	(pc) =	sbr.rel @p1 .LBB2_33-.Ltmp28, $4  }
0x172: {  	p2 =	seq.s32 @!p0 s4, s8  }
0x173: {  	p2 =	por !p2, p0  }
0x174: {  	s6 =	simm.s32 @p2 $0xFFFFFFFF  }
0x175: {  	s6 =	smov.u32 @p0 s0  }
.LBB2_34:
0x176: {  	p0 =	seq.s32 s6, $0xFFFFFFFF  }
.Ltmp29:
0x177: {  	_ = 	snop;
	(pc) =	sbr.rel @p0 .LBB2_36-.Ltmp29, $1  }
0x178: {  	_ =	sdelay $0x3  }
0x179: {  	s0 =	sshll.u32 s3, $0x6  }
0x17a: {  	s0 =	sand.u32 $0x3FFFFFC0, s0  }
0x17b: {  	v0 =	vld [tilespmem:s0+$0xA138];
	_ =	sdelay $0x2  }
0x17c: {  	s4 =	sshll.u32 s6, $0x8  }
0x17d: {  	s4 =	sshra.s32 s4, $0x2  }
0x17e: {  	[tilespmem:s4+$0xA138] =	vst.add.f32.msk $0xffff, v0  }
0x17f: {  	v0 =	vld [tilespmem:s0+$0xA148];
	_ =	sdelay $0x4  }
0x180: {  	[tilespmem:s4+$0xA148] =	vst.add.f32.msk $0xffff, v0  }
0x181: {  	v0 =	vld [tilespmem:s0+$0xA158];
	_ =	sdelay $0x4  }
0x182: {  	[tilespmem:s4+$0xA158] =	vst.add.f32.msk $0xffff, v0  }
0x183: {  	v0 =	vld [tilespmem:s0+$0xA168]  }
.Ltmp30:
0x184: {  	_ = 	snop;
	(pc) =	sbr.rel .LBB2_37-.Ltmp30, $2  }
0x185: {  	_ =	sdelay $0x2  }
0x186: {  	[tilespmem:s4+$0xA168] =	vst.add.f32.msk $0xffff, v0  }
.LBB2_38:
0x187: {  	p0 =	slt.s32 s2, $0x1  }
.Ltmp31:
0x188: {  	_ = 	snop;
	(pc) =	sbr.rel @p0 .LBB2_42-.Ltmp31, $3  }
0x189: {  	_ =	sdelay $0x1  }
0x18a: {  	s0 =	simm.s32 $0x6  }
0x18b: {  	s3 =	simm.s32 $0x0;
	[sflag:s0] =	ssyncpa.u1 $0x1  }
0x18c: {  	s0 =	simm.s32 $0xA118  }
0x18d: {  	v0 =	vld.msk [tilespmem:s0+$0x0], $0x1;
	_ =	sdelay $0x4  }
0x18e: {  	(v2sf) =	vpush v0, $0x0;
	_ =	sdelay $0xe  }
0x18f: {  	s2 =	sadd.s32 $0xFFFFFFFF, s2;
	s0 =	spop (v2sf)  }
0x190: {  	p1 =	sne.s32 s2, $0x0;
	p0 =	sgt.u32 s0, $0x3F8  }
.Ltmp32:
0x191: {  	s5 =	sand.u32 @!p0 $0x3F8, s0;
	(pc) =	sbr.rel @!p1 .LBB2_41-.Ltmp32, $4  }
0x192: {  	s4 =	simm.s32 $0xA138;
	s0 =	sand.u32 @!p0 $0x7, s0;
	s5 =	sadd.s32 @!p0 s1, s5  }
0x193: {  	[hbm4b:s5+s0] =	stream.linear.scatter @!p0 [tilespmem:s4], [sflag:$0x5], $0x40, $0x38;
	[tilespmem:$0x1EF78] =	vst v63  }
0x194: {  	s0 =	simm.s32 $0x0  }
0x195: {  	s5 =	simm.s32 $0xA119;
	s0 =	simm.s32 @!p0 $0x100  }
.LBB2_40:
0x196: {  	v0 =	vld.msk [tilespmem:s5+$0x0], $0x1;
	s2 =	sadd.s32 $0xFFFFFFFF, s2;
	s3 =	sadd.s32 s3, s0  }
0x197: {  	p0 =	sne.s32 s2, $0x0;
	_ =	sdelay $0x3  }
0x198: {  	(v2sf) =	vpush v0, $0x0;
	_ =	sdelay $0xe  }
.Ltmp33:
0x199: {  	s6 =	spop (v2sf);
	(pc) =	sbr.rel @p0 .LBB2_40-.Ltmp33, $4  }
0x19a: {  	s0 =	simm.s32 $0x0;
	p1 =	sgt.u32 s6, $0x3F8  }
0x19b: {  	s4 =	sadd.s32 $0x40, s4;
	s0 =	simm.s32 @!p1 $0x100;
	s7 =	sand.u32 @!p1 $0x3F8, s6  }
0x19c: {  	s5 =	sadd.s32 $0x1, s5;
	s6 =	sand.u32 @!p1 $0x7, s6;
	s7 =	sadd.s32 @!p1 s1, s7  }
0x19d: {  	[hbm4b:s7+s6] =	stream.linear.scatter @!p1 [tilespmem:s4], [sflag:$0x5], $0x40, $0x38;
	[tilespmem:$0x1EF78] =	vst v63  }
.LBB2_41:
0x19e: {  	s0 =	sadd.s32 s3, s0  }
0x19f: {  	s3 =	sshrl.u32 s0, $0x2  }
.LBB2_42:
0x1a0: {  	s0 =	simm.s32 $0x5  }
0x1a1: {  	_ =	swait.ge [sflag:s0], s3  }
0x1a2: {  	s1 =	ssub.s32 $0x0, s3;
	[sflag:s0] =	ssyncset.done $0x0  }
0x1a3: {  	[sflag:s0] =	ssyncadd.s32 s1  }
0x1a4: {  	[sflag:s0] =	ssyncpa.u1 $0x1  }
0x1a5: {  	s30 =	simm.s32 $0x1;
	_ =	sfence  }
0x1a6: {  	[sflag:s30] =	ssyncpa.u1 $0x1  }
0x1a7: {  	_ =	strace $0x90000050  }
0x1a8: {  	[bflag:$0x2] =	sbarrier.arrive $0xFFFF  }
0x1a9: {  	s31 =	rddreg [dreg:$0x1]  }
0x1aa: {  	s0 =	sadd.s32 $0x100000, s31  }
0x1ab: {  	[sflag:s0] =	ssyncadd.tile.s32 $0x1;
	_ =	shalt  }
.Lfunc_end2:
_tile_overlayer_lowered:
.L_overlay_start_2:
0x1ac: {  	(tag) =	ssettag $0x2  }
0x1ad: {  	s0 =	rddreg [dreg:$0x0];
	s2 =	stileid.u32  }
0x1ae: {  	s1 =	rddreg [dreg:$0x1];
	p0 =	sne.s32 s2, $0x0  }
0x1af: {  	s3 =	rddreg [dreg:$0x2];
	[bflag:$0x3] =	sbarrier.arrive $0xFFFF;
	s2 =	simm.s32 @!p0 $0x1C01  }
0x1b0: {  	[timem:s3], [sflag:s2] =	dma.local @!p0 [hbm:s0], s1  }
0x1b1: {  	s0 =	simm.s32 @!p0 $0x1  }
0x1b2: {  	_ =	swait.ge @!p0 [sflag:s0], s1  }
0x1b3: {  	s1 =	ssub.s32 @!p0 $0x0, s1;
	[sflag:s0] =	ssyncset.done @!p0 $0x0  }
0x1b4: {  	[sflag:s0] =	ssyncadd.s32 @!p0 s1  }
0x1b5: {  	[bflag:$0x3] =	sbarrier.arrive $0xFFFF  }
0x1b6: {  	_ =	shalt  }

</sc_bundles>
